<compile_context>
chip_gen: v7x
topology: tpu7x:2x2x1
jax: 0.10.2.dev20260603
libtpu: 0.0.44.dev20260713+nightly
codegen_flags: <defaults>
</compile_context>

<pallas_src>
import functools

import jax
import jax.numpy as jnp
from jax import lax
from jax.experimental import pallas as pl
from jax.experimental.pallas import tpu as pltpu
from jax.experimental.pallas import tpu_sc as plsc

N, D = 10000, 128
NC, NS = 2, 16
NW = NC * NS
CHUNK = 80
RING = 3
NSTRIPS = N // CHUNK


def _agg_body(nblocks, bch, x_hbm, src_hbm, dst_hbm, out_hbm,
              src_v, dst_v, rows_v, agg_sh, sems, isems, ssems):
    cid = lax.axis_index("c")
    sid = lax.axis_index("s")
    total = nblocks * bch

    def fire(c, p):
        bf = c // bch
        pltpu.make_async_copy(
            x_hbm.at[src_v.at[bf % 2, c % bch]], rows_v.at[p],
            sems.at[p]).start()

    pltpu.sync_copy(src_hbm.at[cid, sid, 0], src_v.at[0])
    pltpu.sync_copy(dst_hbm.at[cid, sid, 0], dst_v.at[0])
    for r in range(RING - 1):
        fire(r, r)

    def zrow(i, carry):
        for c in range(D // 16):
            rows_v[RING - 1, i, pl.ds(c * 16, 16)] = (
                jnp.zeros((16,), jnp.float32))
        return carry
    lax.fori_loop(0, CHUNK, zrow, 0)

    def zcopy(k, carry):
        strip = sid + k * NS
        pltpu.sync_copy(rows_v.at[RING - 1],
                        agg_sh.at[pl.ds(strip * CHUNK, CHUNK)])
        return carry
    lax.fori_loop(0, (NSTRIPS - sid + NS - 1) // NS, zcopy, 0)

    plsc.subcore_barrier()

    def stage_start(b, q):
        pltpu.make_async_copy(
            src_hbm.at[cid, sid, b], src_v.at[q], isems.at[0]).start()
        pltpu.make_async_copy(
            dst_hbm.at[cid, sid, b], dst_v.at[q], isems.at[1]).start()

    def stage_wait(b, q):
        pltpu.make_async_copy(
            src_hbm.at[cid, sid, b], src_v.at[q], isems.at[0]).wait()
        pltpu.make_async_copy(
            dst_hbm.at[cid, sid, b], dst_v.at[q], isems.at[1]).wait()

    def chunk(j, carry):
        b = j // bch
        jj = j % bch
        q = b % 2
        p = j % RING

        @pl.when((jj == 0) & (b + 1 < nblocks))
        def _stage_next():
            stage_start(b + 1, 1 - q)

        pltpu.make_async_copy(
            x_hbm.at[src_v.at[q, jj]], rows_v.at[p], sems.at[p]).wait()

        @pl.when((jj == bch - RING) & (b + 1 < nblocks))
        def _stage_done():
            stage_wait(b + 1, 1 - q)

        @pl.when(j + RING - 1 < total)
        def _prefetch():
            @pl.when(j > 0)
            def _scat_done():
                pltpu.make_async_copy(
                    rows_v.at[(j - 1) % RING],
                    agg_sh.at[dst_v.at[0, 0]],
                    ssems.at[(j - 1) % RING]).wait()
            fire(j + RING - 1, (j + RING - 1) % RING)

        pltpu.async_copy(rows_v.at[p], agg_sh.at[dst_v.at[q, jj]],
                         ssems.at[p], add=True)
        return carry
    lax.fori_loop(0, total, chunk, 0)

    for r in range(RING):
        pltpu.make_async_copy(
            rows_v.at[r], agg_sh.at[dst_v.at[0, 0]], ssems.at[r]).wait()

    plsc.subcore_barrier()

    def wcopy(k, carry):
        strip = sid + k * NS
        pltpu.sync_copy(
            agg_sh.at[pl.ds(strip * CHUNK, CHUNK)],
            out_hbm.at[cid, pl.ds(strip * CHUNK, CHUNK)])
        return carry
    lax.fori_loop(0, (NSTRIPS - sid + NS - 1) // NS, wcopy, 0)


@functools.cache
def _make_agg(nblocks, bch):
    return pl.kernel(
        functools.partial(_agg_body, nblocks, bch),
        out_type=jax.ShapeDtypeStruct((NC, N, D), jnp.float32),
        mesh=plsc.VectorSubcoreMesh(core_axis_name="c", subcore_axis_name="s"),
        scratch_types=[
            pltpu.VMEM((2, bch, CHUNK), jnp.int32),
            pltpu.VMEM((2, bch, CHUNK), jnp.int32),
            pltpu.VMEM((RING, CHUNK, D), jnp.float32),
            pltpu.VMEM_SHARED((N, D), jnp.float32),
            pltpu.SemaphoreType.DMA((RING,)),
            pltpu.SemaphoreType.DMA((2,)),
            pltpu.SemaphoreType.DMA((RING,)),
        ],
    )


def _mlp_body(x_ref, p0_ref, p1_ref, w1_ref, b1_ref, w2_ref, b2_ref, o_ref):
    h = x_ref[...] + p0_ref[0] + p1_ref[0]
    h = jnp.dot(h, w1_ref[...], preferred_element_type=jnp.float32) + b1_ref[...]
    h = jnp.maximum(h, 0.0)
    o_ref[...] = (jnp.dot(h, w2_ref[...], preferred_element_type=jnp.float32)
                  + b2_ref[...])


_MLP_BLK = 1000


def _mlp(x, partials, W1, b1, W2, b2):
    row_spec = pl.BlockSpec((_MLP_BLK, D), lambda i: (i, 0))
    p0_spec = pl.BlockSpec((1, _MLP_BLK, D), lambda i: (0, i, 0))
    p1_spec = pl.BlockSpec((1, _MLP_BLK, D), lambda i: (1, i, 0))
    full_spec = pl.BlockSpec((D, D), lambda i: (0, 0))
    bias_spec = pl.BlockSpec((1, D), lambda i: (0, 0))
    return pl.pallas_call(
        _mlp_body,
        grid=(N // _MLP_BLK,),
        in_specs=[row_spec, p0_spec, p1_spec,
                  full_spec, bias_spec, full_spec, bias_spec],
        out_specs=row_spec,
        out_shape=jax.ShapeDtypeStruct((N, D), jnp.float32),
    )(x, partials, partials, W1, b1.reshape(1, D), W2, b2.reshape(1, D))


def kernel(x, edge_index, W1, b1, W2, b2):
    src = edge_index[0].reshape(NC, NS, -1, CHUNK)
    dst = edge_index[1].reshape(NC, NS, -1, CHUNK)
    nchunks = src.shape[2]
    bch = next(b for b in (25, 20, 10, 5, 1) if nchunks % b == 0)
    if bch <= RING:
        bch = nchunks
    nblocks = nchunks // bch
    src = src.reshape(NC, NS, nblocks, bch, CHUNK)
    dst = dst.reshape(NC, NS, nblocks, bch, CHUNK)
    partials = _make_agg(nblocks, bch)(x, src, dst)
    return _mlp(x, partials, W1, b1, W2, b2)

# --- scband reference (transcript-rebuilt; emitter-appended) ---
"""Pipeline reference for scband-ginconv-56908316672602 (READ-ONLY COPY).

The authoritative reference and input builder live on the scoring server;
editing this copy changes nothing except your own understanding.
"""

import jax, jax.numpy as jnp
import numpy as np

N, E, D = 10000, 320000, 128
EPS = 0.0

def setup_inputs(seed: int = 0) -> dict:
    key = jax.random.key(seed)
    k1, k2, k3, k4, k5, k6 = jax.random.split(key, 6)
    x = jax.random.normal(k1, (N, D), dtype=jnp.float32)
    edge_index = jax.random.randint(k2, (2, E), 0, N).astype(jnp.int32)
    s1 = 1.0 / np.sqrt(D)
    W1 = jax.random.normal(k3, (D, D), dtype=jnp.float32) * s1
    b1 = jax.random.normal(k4, (D,), dtype=jnp.float32) * 0.01
    W2 = jax.random.normal(k5, (D, D), dtype=jnp.float32) * s1
    b2 = jax.random.normal(k6, (D,), dtype=jnp.float32) * 0.01
    return {"x": x, "edge_index": edge_index, "W1": W1, "b1": b1, "W2": W2, "b2": b2}

def reference(x, edge_index, W1, b1, W2, b2):
    # GINConv (PyG): out = MLP((1 + eps) * x_i + sum_{j in N(i)} x_j)
    src = edge_index[0]
    dst = edge_index[1]
    msgs = jnp.take(x, src, axis=0)                      # gather source features
    agg = jax.ops.segment_sum(msgs, dst, num_segments=x.shape[0])  # scatter-add to dst
    h = (1.0 + EPS) * x + agg
    h = jnp.maximum(jnp.dot(h, W1) + b1, 0.0)            # Linear + ReLU
    out = jnp.dot(h, W2) + b2                            # Linear
    return out

if __name__ == "__main__":
    import jax
    _d = setup_inputs()
    print(jax.jit(kernel)(*tuple(_d.values())))

</pallas_src>

<mosaic_0001>
#map = affine_map<(d0, d1) -> (0, 0)>
#map1 = affine_map<(d0, d1) -> (0, 0, 0, 0, 0)>
#map2 = affine_map<(d0, d1) -> (0, 0, 0)>
module attributes {stable_mosaic.version = 14 : i64} {
  func.func @_agg_body(%arg0: i32, %arg1: i32, %arg2: memref<10000x128xf32, #tpu.memory_space<hbm>>, %arg3: memref<2x16x5x25x80xi32, #tpu.memory_space<hbm>>, %arg4: memref<2x16x5x25x80xi32, #tpu.memory_space<hbm>>, %arg5: memref<2x10000x128xf32, #tpu.memory_space<hbm>>, %arg6: memref<2x25x80xi32, #tpu.memory_space<vmem>>, %arg7: memref<2x25x80xi32, #tpu.memory_space<vmem>>, %arg8: memref<3x80x128xf32, #tpu.memory_space<vmem>>, %arg9: memref<10000x128xf32, #tpu.memory_space<vmem_shared>>, %arg10: memref<3x!tpu.dma_semaphore, #tpu.memory_space<semaphore_mem>>, %arg11: memref<2x!tpu.dma_semaphore, #tpu.memory_space<semaphore_mem>>, %arg12: memref<3x!tpu.dma_semaphore, #tpu.memory_space<semaphore_mem>>) attributes {dimension_semantics = [#tpu.dimension_semantics<core_parallel>, #tpu.dimension_semantics<subcore_parallel>], iteration_bounds = array<i64: 2, 16>, scalar_prefetch = 0 : i64, scratch_operands = 7 : i64, tpu.core_type = #tpu.core_type<sc_vector_subcore>, window_params = [{transform_indices = #map}, {transform_indices = #map1}, {transform_indices = #map1}, {transform_indices = #map2}]} {
    %run_scoped3A = arith.constant 0 : i32
    %run_scoped3A_0 = arith.constant 0 : i32
    "tpu.region"() ({
      %run_scoped3A_163 = tpu.sem_alloc : memref<!tpu.dma_semaphore, #tpu.memory_space<semaphore_mem>>
      %dma_start3A_164 = arith.constant 0 : i32
      %dma_start3A_165 = arith.constant 0 : i32
      %dma_start3A_166 = tpu.memref_slice %arg6[%run_scoped3A_0, %dma_start3A_164, %dma_start3A_165] : memref<2x25x80xi32, #tpu.memory_space<vmem>> -> memref<1x25x80xi32, #tpu.memory_space<vmem>>
      %dma_start3A_167 = tpu.memref_squeeze %dma_start3A_166 : memref<1x25x80xi32, #tpu.memory_space<vmem>> -> memref<25x80xi32, #tpu.memory_space<vmem>>
      %dma_start3A_168 = arith.constant 0 : i32
      %dma_start3A_169 = arith.constant 0 : i32
      %dma_start3A_170 = tpu.memref_slice %arg3[%arg0, %arg1, %run_scoped3A, %dma_start3A_168, %dma_start3A_169] : memref<2x16x5x25x80xi32, #tpu.memory_space<hbm>> -> memref<1x1x1x25x80xi32, #tpu.memory_space<hbm>>
      %dma_start3A_171 = tpu.memref_squeeze %dma_start3A_170 : memref<1x1x1x25x80xi32, #tpu.memory_space<hbm>> -> memref<25x80xi32, #tpu.memory_space<hbm>>
      %dma_start3A_172 = arith.constant 0 : i32
      %dma_start3A_173 = arith.constant 0 : i32
      %dma_start3A_174 = tpu.memref_slice %arg6[%run_scoped3A_0, %dma_start3A_172, %dma_start3A_173] : memref<2x25x80xi32, #tpu.memory_space<vmem>> -> memref<1x25x80xi32, #tpu.memory_space<vmem>>
      %dma_start3A_175 = tpu.memref_squeeze %dma_start3A_174 : memref<1x25x80xi32, #tpu.memory_space<vmem>> -> memref<25x80xi32, #tpu.memory_space<vmem>>
      %dma_start3A_176 = arith.constant 0 : i32
      %dma_start3A_177 = arith.constant 0 : i32
      %dma_start3A_178 = tpu.memref_slice %arg3[%arg0, %arg1, %run_scoped3A, %dma_start3A_176, %dma_start3A_177] : memref<2x16x5x25x80xi32, #tpu.memory_space<hbm>> -> memref<1x1x1x25x80xi32, #tpu.memory_space<hbm>>
      %dma_start3A_179 = tpu.memref_squeeze %dma_start3A_178 : memref<1x1x1x25x80xi32, #tpu.memory_space<hbm>> -> memref<25x80xi32, #tpu.memory_space<hbm>>
      tpu.enqueue_dma source(%dma_start3A_179 : memref<25x80xi32, #tpu.memory_space<hbm>>) target(%dma_start3A_175 : memref<25x80xi32, #tpu.memory_space<vmem>>) target_semaphore(%run_scoped3A_163 : memref<!tpu.dma_semaphore, #tpu.memory_space<semaphore_mem>>)
      %dma_wait3A_180 = arith.constant 0 : i32
      %dma_wait3A_181 = arith.constant 0 : i32
      %dma_wait3A_182 = tpu.memref_slice %arg6[%run_scoped3A_0, %dma_wait3A_180, %dma_wait3A_181] : memref<2x25x80xi32, #tpu.memory_space<vmem>> -> memref<1x25x80xi32, #tpu.memory_space<vmem>>
      %dma_wait3A_183 = tpu.memref_squeeze %dma_wait3A_182 : memref<1x25x80xi32, #tpu.memory_space<vmem>> -> memref<25x80xi32, #tpu.memory_space<vmem>>
      %dma_wait3A_184 = arith.constant 0 : i32
      %dma_wait3A_185 = arith.constant 0 : i32
      %dma_wait3A_186 = tpu.memref_slice %arg3[%arg0, %arg1, %run_scoped3A, %dma_wait3A_184, %dma_wait3A_185] : memref<2x16x5x25x80xi32, #tpu.memory_space<hbm>> -> memref<1x1x1x25x80xi32, #tpu.memory_space<hbm>>
      %dma_wait3A_187 = tpu.memref_squeeze %dma_wait3A_186 : memref<1x1x1x25x80xi32, #tpu.memory_space<hbm>> -> memref<25x80xi32, #tpu.memory_space<hbm>>
      %dma_wait3A_188 = arith.constant 0 : i32
      %dma_wait3A_189 = arith.constant 0 : i32
      %dma_wait3A_190 = tpu.memref_slice %arg6[%run_scoped3A_0, %dma_wait3A_188, %dma_wait3A_189] : memref<2x25x80xi32, #tpu.memory_space<vmem>> -> memref<1x25x80xi32, #tpu.memory_space<vmem>>
      %dma_wait3A_191 = tpu.memref_squeeze %dma_wait3A_190 : memref<1x25x80xi32, #tpu.memory_space<vmem>> -> memref<25x80xi32, #tpu.memory_space<vmem>>
      %dma_wait3A_192 = arith.constant 0 : i32
      %dma_wait3A_193 = arith.constant 0 : i32
      %dma_wait3A_194 = tpu.memref_slice %arg3[%arg0, %arg1, %run_scoped3A, %dma_wait3A_192, %dma_wait3A_193] : memref<2x16x5x25x80xi32, #tpu.memory_space<hbm>> -> memref<1x1x1x25x80xi32, #tpu.memory_space<hbm>>
      %dma_wait3A_195 = tpu.memref_squeeze %dma_wait3A_194 : memref<1x1x1x25x80xi32, #tpu.memory_space<hbm>> -> memref<25x80xi32, #tpu.memory_space<hbm>>
      tpu.wait_dma2 semaphore(%run_scoped3A_163 : memref<!tpu.dma_semaphore, #tpu.memory_space<semaphore_mem>>) src(%dma_wait3A_195 : memref<25x80xi32, #tpu.memory_space<hbm>>) dst(%dma_wait3A_191 : memref<25x80xi32, #tpu.memory_space<vmem>>)
      tpu.yield
    }) : () -> ()
    %run_scoped3A_1 = arith.constant 0 : i32
    %run_scoped3A_2 = arith.constant 0 : i32
    "tpu.region"() ({
      %run_scoped3A_163 = tpu.sem_alloc : memref<!tpu.dma_semaphore, #tpu.memory_space<semaphore_mem>>
      %dma_start3A_164 = arith.constant 0 : i32
      %dma_start3A_165 = arith.constant 0 : i32
      %dma_start3A_166 = tpu.memref_slice %arg7[%run_scoped3A_2, %dma_start3A_164, %dma_start3A_165] : memref<2x25x80xi32, #tpu.memory_space<vmem>> -> memref<1x25x80xi32, #tpu.memory_space<vmem>>
      %dma_start3A_167 = tpu.memref_squeeze %dma_start3A_166 : memref<1x25x80xi32, #tpu.memory_space<vmem>> -> memref<25x80xi32, #tpu.memory_space<vmem>>
      %dma_start3A_168 = arith.constant 0 : i32
      %dma_start3A_169 = arith.constant 0 : i32
      %dma_start3A_170 = tpu.memref_slice %arg4[%arg0, %arg1, %run_scoped3A_1, %dma_start3A_168, %dma_start3A_169] : memref<2x16x5x25x80xi32, #tpu.memory_space<hbm>> -> memref<1x1x1x25x80xi32, #tpu.memory_space<hbm>>
      %dma_start3A_171 = tpu.memref_squeeze %dma_start3A_170 : memref<1x1x1x25x80xi32, #tpu.memory_space<hbm>> -> memref<25x80xi32, #tpu.memory_space<hbm>>
      %dma_start3A_172 = arith.constant 0 : i32
      %dma_start3A_173 = arith.constant 0 : i32
      %dma_start3A_174 = tpu.memref_slice %arg7[%run_scoped3A_2, %dma_start3A_172, %dma_start3A_173] : memref<2x25x80xi32, #tpu.memory_space<vmem>> -> memref<1x25x80xi32, #tpu.memory_space<vmem>>
      %dma_start3A_175 = tpu.memref_squeeze %dma_start3A_174 : memref<1x25x80xi32, #tpu.memory_space<vmem>> -> memref<25x80xi32, #tpu.memory_space<vmem>>
      %dma_start3A_176 = arith.constant 0 : i32
      %dma_start3A_177 = arith.constant 0 : i32
      %dma_start3A_178 = tpu.memref_slice %arg4[%arg0, %arg1, %run_scoped3A_1, %dma_start3A_176, %dma_start3A_177] : memref<2x16x5x25x80xi32, #tpu.memory_space<hbm>> -> memref<1x1x1x25x80xi32, #tpu.memory_space<hbm>>
      %dma_start3A_179 = tpu.memref_squeeze %dma_start3A_178 : memref<1x1x1x25x80xi32, #tpu.memory_space<hbm>> -> memref<25x80xi32, #tpu.memory_space<hbm>>
      tpu.enqueue_dma source(%dma_start3A_179 : memref<25x80xi32, #tpu.memory_space<hbm>>) target(%dma_start3A_175 : memref<25x80xi32, #tpu.memory_space<vmem>>) target_semaphore(%run_scoped3A_163 : memref<!tpu.dma_semaphore, #tpu.memory_space<semaphore_mem>>)
      %dma_wait3A_180 = arith.constant 0 : i32
      %dma_wait3A_181 = arith.constant 0 : i32
      %dma_wait3A_182 = tpu.memref_slice %arg7[%run_scoped3A_2, %dma_wait3A_180, %dma_wait3A_181] : memref<2x25x80xi32, #tpu.memory_space<vmem>> -> memref<1x25x80xi32, #tpu.memory_space<vmem>>
      %dma_wait3A_183 = tpu.memref_squeeze %dma_wait3A_182 : memref<1x25x80xi32, #tpu.memory_space<vmem>> -> memref<25x80xi32, #tpu.memory_space<vmem>>
      %dma_wait3A_184 = arith.constant 0 : i32
      %dma_wait3A_185 = arith.constant 0 : i32
      %dma_wait3A_186 = tpu.memref_slice %arg4[%arg0, %arg1, %run_scoped3A_1, %dma_wait3A_184, %dma_wait3A_185] : memref<2x16x5x25x80xi32, #tpu.memory_space<hbm>> -> memref<1x1x1x25x80xi32, #tpu.memory_space<hbm>>
      %dma_wait3A_187 = tpu.memref_squeeze %dma_wait3A_186 : memref<1x1x1x25x80xi32, #tpu.memory_space<hbm>> -> memref<25x80xi32, #tpu.memory_space<hbm>>
      %dma_wait3A_188 = arith.constant 0 : i32
      %dma_wait3A_189 = arith.constant 0 : i32
      %dma_wait3A_190 = tpu.memref_slice %arg7[%run_scoped3A_2, %dma_wait3A_188, %dma_wait3A_189] : memref<2x25x80xi32, #tpu.memory_space<vmem>> -> memref<1x25x80xi32, #tpu.memory_space<vmem>>
      %dma_wait3A_191 = tpu.memref_squeeze %dma_wait3A_190 : memref<1x25x80xi32, #tpu.memory_space<vmem>> -> memref<25x80xi32, #tpu.memory_space<vmem>>
      %dma_wait3A_192 = arith.constant 0 : i32
      %dma_wait3A_193 = arith.constant 0 : i32
      %dma_wait3A_194 = tpu.memref_slice %arg4[%arg0, %arg1, %run_scoped3A_1, %dma_wait3A_192, %dma_wait3A_193] : memref<2x16x5x25x80xi32, #tpu.memory_space<hbm>> -> memref<1x1x1x25x80xi32, #tpu.memory_space<hbm>>
      %dma_wait3A_195 = tpu.memref_squeeze %dma_wait3A_194 : memref<1x1x1x25x80xi32, #tpu.memory_space<hbm>> -> memref<25x80xi32, #tpu.memory_space<hbm>>
      tpu.wait_dma2 semaphore(%run_scoped3A_163 : memref<!tpu.dma_semaphore, #tpu.memory_space<semaphore_mem>>) src(%dma_wait3A_195 : memref<25x80xi32, #tpu.memory_space<hbm>>) dst(%dma_wait3A_191 : memref<25x80xi32, #tpu.memory_space<vmem>>)
      tpu.yield
    }) : () -> ()
    %dma_start3A = arith.constant 0 : i32
    %dma_start3A_3 = arith.constant 0 : i32
    %dma_start3A_4 = arith.constant 0 : i32
    %dma_start3A_5 = arith.constant 0 : i32
    %dma_start3A_6 = arith.constant 0 : i32
    %dma_start3A_7 = arith.constant 0 : i32
    %dma_start3A_8 = tpu.memref_slice %arg8[%dma_start3A_4, %dma_start3A_6, %dma_start3A_7] : memref<3x80x128xf32, #tpu.memory_space<vmem>> -> memref<1x80x128xf32, #tpu.memory_space<vmem>>
    %dma_start3A_9 = tpu.memref_squeeze %dma_start3A_8 : memref<1x80x128xf32, #tpu.memory_space<vmem>> -> memref<80x128xf32, #tpu.memory_space<vmem>>
    %dma_start3A_10 = arith.constant 0 : i32
    %dma_start3A_11 = tpu.memref_slice %arg6[%dma_start3A, %dma_start3A_3, %dma_start3A_10] : memref<2x25x80xi32, #tpu.memory_space<vmem>> -> memref<1x1x80xi32, #tpu.memory_space<vmem>>
    %dma_start3A_12 = tpu.memref_squeeze %dma_start3A_11 : memref<1x1x80xi32, #tpu.memory_space<vmem>> -> memref<80xi32, #tpu.memory_space<vmem>>
    %dma_start3A_13 = arith.constant 0 : i32
    %dma_start3A_14 = arith.constant 0 : i32
    %dma_start3A_15 = tpu.memref_slice %arg2[%dma_start3A_13, %dma_start3A_14] : memref<10000x128xf32, #tpu.memory_space<hbm>> -> memref<10000x128xf32, #tpu.memory_space<hbm>>
    %dma_start3A_16 = tpu.memref_slice %arg10[%dma_start3A_5] : memref<3x!tpu.dma_semaphore, #tpu.memory_space<semaphore_mem>> -> memref<1x!tpu.dma_semaphore, #tpu.memory_space<semaphore_mem>>
    %dma_start3A_17 = tpu.memref_squeeze %dma_start3A_16 : memref<1x!tpu.dma_semaphore, #tpu.memory_space<semaphore_mem>> -> memref<!tpu.dma_semaphore, #tpu.memory_space<semaphore_mem>>
    tpu.enqueue_indirect_dma source(%dma_start3A_15 : memref<10000x128xf32, #tpu.memory_space<hbm>>) target(%dma_start3A_9 : memref<80x128xf32, #tpu.memory_space<vmem>>) offsets(%dma_start3A_12 : memref<80xi32, #tpu.memory_space<vmem>>) semaphore(%dma_start3A_17 : memref<!tpu.dma_semaphore, #tpu.memory_space<semaphore_mem>>)
    %dma_start3A_18 = arith.constant 0 : i32
    %dma_start3A_19 = arith.constant 1 : i32
    %dma_start3A_20 = arith.constant 1 : i32
    %dma_start3A_21 = arith.constant 1 : i32
    %dma_start3A_22 = arith.constant 0 : i32
    %dma_start3A_23 = arith.constant 0 : i32
    %dma_start3A_24 = tpu.memref_slice %arg8[%dma_start3A_20, %dma_start3A_22, %dma_start3A_23] : memref<3x80x128xf32, #tpu.memory_space<vmem>> -> memref<1x80x128xf32, #tpu.memory_space<vmem>>
    %dma_start3A_25 = tpu.memref_squeeze %dma_start3A_24 : memref<1x80x128xf32, #tpu.memory_space<vmem>> -> memref<80x128xf32, #tpu.memory_space<vmem>>
    %dma_start3A_26 = arith.constant 0 : i32
    %dma_start3A_27 = tpu.memref_slice %arg6[%dma_start3A_18, %dma_start3A_19, %dma_start3A_26] : memref<2x25x80xi32, #tpu.memory_space<vmem>> -> memref<1x1x80xi32, #tpu.memory_space<vmem>>
    %dma_start3A_28 = tpu.memref_squeeze %dma_start3A_27 : memref<1x1x80xi32, #tpu.memory_space<vmem>> -> memref<80xi32, #tpu.memory_space<vmem>>
    %dma_start3A_29 = arith.constant 0 : i32
    %dma_start3A_30 = arith.constant 0 : i32
    %dma_start3A_31 = tpu.memref_slice %arg2[%dma_start3A_29, %dma_start3A_30] : memref<10000x128xf32, #tpu.memory_space<hbm>> -> memref<10000x128xf32, #tpu.memory_space<hbm>>
    %dma_start3A_32 = tpu.memref_slice %arg10[%dma_start3A_21] : memref<3x!tpu.dma_semaphore, #tpu.memory_space<semaphore_mem>> -> memref<1x!tpu.dma_semaphore, #tpu.memory_space<semaphore_mem>>
    %dma_start3A_33 = tpu.memref_squeeze %dma_start3A_32 : memref<1x!tpu.dma_semaphore, #tpu.memory_space<semaphore_mem>> -> memref<!tpu.dma_semaphore, #tpu.memory_space<semaphore_mem>>
    tpu.enqueue_indirect_dma source(%dma_start3A_31 : memref<10000x128xf32, #tpu.memory_space<hbm>>) target(%dma_start3A_25 : memref<80x128xf32, #tpu.memory_space<vmem>>) offsets(%dma_start3A_28 : memref<80xi32, #tpu.memory_space<vmem>>) semaphore(%dma_start3A_33 : memref<!tpu.dma_semaphore, #tpu.memory_space<semaphore_mem>>)
    %scan3A = arith.constant 0 : i32
    %scan3A_34 = arith.constant 0 : i32
    %scan3A_35 = arith.constant 80 : i32
    %scan3A_36 = arith.addi %scan3A_34, %scan3A_35 : i32
    %scan3A_37 = arith.constant 1 : i32
    scf.for %scan3A_163 = %scan3A_34 to %scan3A_36 step %scan3A_37  : i32 {
      %broadcast_in_dim3A = arith.constant 0.000000e+00 : f32
      %broadcast_in_dim3A_164 = vector.broadcast %broadcast_in_dim3A : f32 to vector<16xf32>
      %swap3A = arith.constant 2 : i32
      %swap3A_165 = arith.index_cast %swap3A : i32 to index
      %swap3A_166 = arith.index_cast %scan3A_163 : i32 to index
      %swap3A_167 = arith.constant 0 : index
      %swap3A_168 = tpu.vector_load %arg8[%swap3A_165, %swap3A_166, %swap3A_167] {strides = array<i32>} : memref<3x80x128xf32, #tpu.memory_space<vmem>>, vector<1x1x16xf32>,
      %swap3A_169 = vector.shape_cast %swap3A_168 : vector<1x1x16xf32> to vector<16xf32>
      %swap3A_170 = vector.shape_cast %broadcast_in_dim3A_164 : vector<16xf32> to vector<1x1x16xf32>
      tpu.vector_store %arg8[%swap3A_165, %swap3A_166, %swap3A_167], %swap3A_170 {strides = array<i32>} : memref<3x80x128xf32, #tpu.memory_space<vmem>>, vector<1x1x16xf32>,
      %broadcast_in_dim3A_171 = arith.constant 0.000000e+00 : f32
      %broadcast_in_dim3A_172 = vector.broadcast %broadcast_in_dim3A_171 : f32 to vector<16xf32>
      %swap3A_173 = arith.constant 2 : i32
      %swap3A_174 = arith.index_cast %swap3A_173 : i32 to index
      %swap3A_175 = arith.index_cast %scan3A_163 : i32 to index
      %swap3A_176 = arith.constant 16 : index
      %swap3A_177 = tpu.vector_load %arg8[%swap3A_174, %swap3A_175, %swap3A_176] {strides = array<i32>} : memref<3x80x128xf32, #tpu.memory_space<vmem>>, vector<1x1x16xf32>,
      %swap3A_178 = vector.shape_cast %swap3A_177 : vector<1x1x16xf32> to vector<16xf32>
      %swap3A_179 = vector.shape_cast %broadcast_in_dim3A_172 : vector<16xf32> to vector<1x1x16xf32>
      tpu.vector_store %arg8[%swap3A_174, %swap3A_175, %swap3A_176], %swap3A_179 {strides = array<i32>} : memref<3x80x128xf32, #tpu.memory_space<vmem>>, vector<1x1x16xf32>,
      %broadcast_in_dim3A_180 = arith.constant 0.000000e+00 : f32
      %broadcast_in_dim3A_181 = vector.broadcast %broadcast_in_dim3A_180 : f32 to vector<16xf32>
      %swap3A_182 = arith.constant 2 : i32
      %swap3A_183 = arith.index_cast %swap3A_182 : i32 to index
      %swap3A_184 = arith.index_cast %scan3A_163 : i32 to index
      %swap3A_185 = arith.constant 32 : index
      %swap3A_186 = tpu.vector_load %arg8[%swap3A_183, %swap3A_184, %swap3A_185] {strides = array<i32>} : memref<3x80x128xf32, #tpu.memory_space<vmem>>, vector<1x1x16xf32>,
      %swap3A_187 = vector.shape_cast %swap3A_186 : vector<1x1x16xf32> to vector<16xf32>
      %swap3A_188 = vector.shape_cast %broadcast_in_dim3A_181 : vector<16xf32> to vector<1x1x16xf32>
      tpu.vector_store %arg8[%swap3A_183, %swap3A_184, %swap3A_185], %swap3A_188 {strides = array<i32>} : memref<3x80x128xf32, #tpu.memory_space<vmem>>, vector<1x1x16xf32>,
      %broadcast_in_dim3A_189 = arith.constant 0.000000e+00 : f32
      %broadcast_in_dim3A_190 = vector.broadcast %broadcast_in_dim3A_189 : f32 to vector<16xf32>
      %swap3A_191 = arith.constant 2 : i32
      %swap3A_192 = arith.index_cast %swap3A_191 : i32 to index
      %swap3A_193 = arith.index_cast %scan3A_163 : i32 to index
      %swap3A_194 = arith.constant 48 : index
      %swap3A_195 = tpu.vector_load %arg8[%swap3A_192, %swap3A_193, %swap3A_194] {strides = array<i32>} : memref<3x80x128xf32, #tpu.memory_space<vmem>>, vector<1x1x16xf32>,
      %swap3A_196 = vector.shape_cast %swap3A_195 : vector<1x1x16xf32> to vector<16xf32>
      %swap3A_197 = vector.shape_cast %broadcast_in_dim3A_190 : vector<16xf32> to vector<1x1x16xf32>
      tpu.vector_store %arg8[%swap3A_192, %swap3A_193, %swap3A_194], %swap3A_197 {strides = array<i32>} : memref<3x80x128xf32, #tpu.memory_space<vmem>>, vector<1x1x16xf32>,
      %broadcast_in_dim3A_198 = arith.constant 0.000000e+00 : f32
      %broadcast_in_dim3A_199 = vector.broadcast %broadcast_in_dim3A_198 : f32 to vector<16xf32>
      %swap3A_200 = arith.constant 2 : i32
      %swap3A_201 = arith.index_cast %swap3A_200 : i32 to index
      %swap3A_202 = arith.index_cast %scan3A_163 : i32 to index
      %swap3A_203 = arith.constant 64 : index
      %swap3A_204 = tpu.vector_load %arg8[%swap3A_201, %swap3A_202, %swap3A_203] {strides = array<i32>} : memref<3x80x128xf32, #tpu.memory_space<vmem>>, vector<1x1x16xf32>,
      %swap3A_205 = vector.shape_cast %swap3A_204 : vector<1x1x16xf32> to vector<16xf32>
      %swap3A_206 = vector.shape_cast %broadcast_in_dim3A_199 : vector<16xf32> to vector<1x1x16xf32>
      tpu.vector_store %arg8[%swap3A_201, %swap3A_202, %swap3A_203], %swap3A_206 {strides = array<i32>} : memref<3x80x128xf32, #tpu.memory_space<vmem>>, vector<1x1x16xf32>,
      %broadcast_in_dim3A_207 = arith.constant 0.000000e+00 : f32
      %broadcast_in_dim3A_208 = vector.broadcast %broadcast_in_dim3A_207 : f32 to vector<16xf32>
      %swap3A_209 = arith.constant 2 : i32
      %swap3A_210 = arith.index_cast %swap3A_209 : i32 to index
      %swap3A_211 = arith.index_cast %scan3A_163 : i32 to index
      %swap3A_212 = arith.constant 80 : index
      %swap3A_213 = tpu.vector_load %arg8[%swap3A_210, %swap3A_211, %swap3A_212] {strides = array<i32>} : memref<3x80x128xf32, #tpu.memory_space<vmem>>, vector<1x1x16xf32>,
      %swap3A_214 = vector.shape_cast %swap3A_213 : vector<1x1x16xf32> to vector<16xf32>
      %swap3A_215 = vector.shape_cast %broadcast_in_dim3A_208 : vector<16xf32> to vector<1x1x16xf32>
      tpu.vector_store %arg8[%swap3A_210, %swap3A_211, %swap3A_212], %swap3A_215 {strides = array<i32>} : memref<3x80x128xf32, #tpu.memory_space<vmem>>, vector<1x1x16xf32>,
      %broadcast_in_dim3A_216 = arith.constant 0.000000e+00 : f32
      %broadcast_in_dim3A_217 = vector.broadcast %broadcast_in_dim3A_216 : f32 to vector<16xf32>
      %swap3A_218 = arith.constant 2 : i32
      %swap3A_219 = arith.index_cast %swap3A_218 : i32 to index
      %swap3A_220 = arith.index_cast %scan3A_163 : i32 to index
      %swap3A_221 = arith.constant 96 : index
      %swap3A_222 = tpu.vector_load %arg8[%swap3A_219, %swap3A_220, %swap3A_221] {strides = array<i32>} : memref<3x80x128xf32, #tpu.memory_space<vmem>>, vector<1x1x16xf32>,
      %swap3A_223 = vector.shape_cast %swap3A_222 : vector<1x1x16xf32> to vector<16xf32>
      %swap3A_224 = vector.shape_cast %broadcast_in_dim3A_217 : vector<16xf32> to vector<1x1x16xf32>
      tpu.vector_store %arg8[%swap3A_219, %swap3A_220, %swap3A_221], %swap3A_224 {strides = array<i32>} : memref<3x80x128xf32, #tpu.memory_space<vmem>>, vector<1x1x16xf32>,
      %broadcast_in_dim3A_225 = arith.constant 0.000000e+00 : f32
      %broadcast_in_dim3A_226 = vector.broadcast %broadcast_in_dim3A_225 : f32 to vector<16xf32>
      %swap3A_227 = arith.constant 2 : i32
      %swap3A_228 = arith.index_cast %swap3A_227 : i32 to index
      %swap3A_229 = arith.index_cast %scan3A_163 : i32 to index
      %swap3A_230 = arith.constant 112 : index
      %swap3A_231 = tpu.vector_load %arg8[%swap3A_228, %swap3A_229, %swap3A_230] {strides = array<i32>} : memref<3x80x128xf32, #tpu.memory_space<vmem>>, vector<1x1x16xf32>,
      %swap3A_232 = vector.shape_cast %swap3A_231 : vector<1x1x16xf32> to vector<16xf32>
      %swap3A_233 = vector.shape_cast %broadcast_in_dim3A_226 : vector<16xf32> to vector<1x1x16xf32>
      tpu.vector_store %arg8[%swap3A_228, %swap3A_229, %swap3A_230], %swap3A_233 {strides = array<i32>} : memref<3x80x128xf32, #tpu.memory_space<vmem>>, vector<1x1x16xf32>,
    }
    %scan3A_38 = arith.constant 80 : i32
    %sub3A = arith.constant 125 : i32
    %sub3A_39 = arith.subi %sub3A, %arg1 : i32
    %add3A = arith.constant 16 : i32
    %add3A_40 = arith.addi %sub3A_39, %add3A : i32
    %sub3A_41 = arith.constant 1 : i32
    %sub3A_42 = arith.subi %add3A_40, %sub3A_41 : i32
    %jit3A = arith.constant 16 : i32
    %div3A = arith.divsi %sub3A_42, %jit3A : i32
    %sign3A = arith.constant 0 : i32
    %sign3A_43 = arith.cmpi sgt, %sub3A_42, %sign3A : i32
    %sign3A_44 = arith.extui %sign3A_43 : i1 to i32
    %sign3A_45 = arith.constant 0 : i32
    %sign3A_46 = arith.cmpi slt, %sub3A_42, %sign3A_45 : i32
    %sign3A_47 = arith.extui %sign3A_46 : i1 to i32
    %sign3A_48 = arith.subi %sign3A_44, %sign3A_47 : i32
    %sign3A_49 = arith.constant 0 : i32
    %sign3A_50 = arith.cmpi sgt, %jit3A, %sign3A_49 : i32
    %sign3A_51 = arith.extui %sign3A_50 : i1 to i32
    %sign3A_52 = arith.constant 0 : i32
    %sign3A_53 = arith.cmpi slt, %jit3A, %sign3A_52 : i32
    %sign3A_54 = arith.extui %sign3A_53 : i1 to i32
    %sign3A_55 = arith.subi %sign3A_51, %sign3A_54 : i32
    %ne3A = arith.cmpi ne, %sign3A_48, %sign3A_55 : i32
    %rem3A = arith.remsi %sub3A_42, %jit3A : i32
    %ne3A_56 = arith.constant 0 : i32
    %ne3A_57 = arith.cmpi ne, %rem3A, %ne3A_56 : i32
    %and3A = arith.andi %ne3A, %ne3A_57 : i1
    %sub3A_58 = arith.constant 1 : i32
    %sub3A_59 = arith.subi %div3A, %sub3A_58 : i32
    %select_n3A = arith.select %and3A, %sub3A_59, %div3A : i32
    %while3A = arith.constant 0 : i32
    %while3A_60 = arith.constant 0 : i32
    %while3A_61 = arith.subi %select_n3A, %while3A_60 : i32
    %while3A_62 = arith.addi %while3A_60, %while3A_61 : i32
    %while3A_63 = arith.constant 1 : i32
    %while3A_64 = arith.divsi %while3A_61, %while3A_63 : i32
    %while3A_65 = arith.muli %while3A_64, %while3A_63 : i32
    %while3A_66 = arith.addi %while3A_60, %while3A_65 : i32
    %while3A_67 = arith.constant 1 : i32
    scf.for %while3A_163 = %while3A_60 to %while3A_66 step %while3A_67  : i32 {
      %mul3A = arith.constant 16 : i32
      %mul3A_164 = arith.muli %while3A_163, %mul3A : i32
      %add3A_165 = arith.addi %arg1, %mul3A_164 : i32
      %mul3A_166 = arith.constant 80 : i32
      %mul3A_167 = arith.muli %add3A_165, %mul3A_166 : i32
      %run_scoped3A_168 = arith.constant 2 : i32
      "tpu.region"() ({
        %run_scoped3A_169 = tpu.sem_alloc : memref<!tpu.dma_semaphore, #tpu.memory_space<semaphore_mem>>
        %dma_start3A_170 = arith.constant 0 : i32
        %dma_start3A_171 = arith.constant 0 : i32
        %dma_start3A_172 = tpu.memref_slice %arg8[%run_scoped3A_168, %dma_start3A_170, %dma_start3A_171] : memref<3x80x128xf32, #tpu.memory_space<vmem>> -> memref<1x80x128xf32, #tpu.memory_space<vmem>>
        %dma_start3A_173 = tpu.memref_squeeze %dma_start3A_172 : memref<1x80x128xf32, #tpu.memory_space<vmem>> -> memref<80x128xf32, #tpu.memory_space<vmem>>
        %dma_start3A_174 = arith.constant 0 : i32
        %dma_start3A_175 = tpu.memref_slice %arg9[%mul3A_167, %dma_start3A_174] : memref<10000x128xf32, #tpu.memory_space<vmem_shared>> -> memref<80x128xf32, #tpu.memory_space<vmem_shared>>
        %dma_start3A_176 = arith.constant 0 : i32
        %dma_start3A_177 = tpu.memref_slice %arg9[%mul3A_167, %dma_start3A_176] : memref<10000x128xf32, #tpu.memory_space<vmem_shared>> -> memref<80x128xf32, #tpu.memory_space<vmem_shared>>
        %dma_start3A_178 = arith.constant 0 : i32
        %dma_start3A_179 = arith.constant 0 : i32
        %dma_start3A_180 = tpu.memref_slice %arg8[%run_scoped3A_168, %dma_start3A_178, %dma_start3A_179] : memref<3x80x128xf32, #tpu.memory_space<vmem>> -> memref<1x80x128xf32, #tpu.memory_space<vmem>>
        %dma_start3A_181 = tpu.memref_squeeze %dma_start3A_180 : memref<1x80x128xf32, #tpu.memory_space<vmem>> -> memref<80x128xf32, #tpu.memory_space<vmem>>
        tpu.enqueue_dma source(%dma_start3A_181 : memref<80x128xf32, #tpu.memory_space<vmem>>) target(%dma_start3A_177 : memref<80x128xf32, #tpu.memory_space<vmem_shared>>) target_semaphore(%run_scoped3A_169 : memref<!tpu.dma_semaphore, #tpu.memory_space<semaphore_mem>>)
        %dma_wait3A_182 = arith.constant 0 : i32
        %dma_wait3A_183 = arith.constant 0 : i32
        %dma_wait3A_184 = tpu.memref_slice %arg8[%run_scoped3A_168, %dma_wait3A_182, %dma_wait3A_183] : memref<3x80x128xf32, #tpu.memory_space<vmem>> -> memref<1x80x128xf32, #tpu.memory_space<vmem>>
        %dma_wait3A_185 = tpu.memref_squeeze %dma_wait3A_184 : memref<1x80x128xf32, #tpu.memory_space<vmem>> -> memref<80x128xf32, #tpu.memory_space<vmem>>
        %dma_wait3A_186 = arith.constant 0 : i32
        %dma_wait3A_187 = tpu.memref_slice %arg9[%mul3A_167, %dma_wait3A_186] : memref<10000x128xf32, #tpu.memory_space<vmem_shared>> -> memref<80x128xf32, #tpu.memory_space<vmem_shared>>
        %dma_wait3A_188 = arith.constant 0 : i32
        %dma_wait3A_189 = tpu.memref_slice %arg9[%mul3A_167, %dma_wait3A_188] : memref<10000x128xf32, #tpu.memory_space<vmem_shared>> -> memref<80x128xf32, #tpu.memory_space<vmem_shared>>
        %dma_wait3A_190 = arith.constant 0 : i32
        %dma_wait3A_191 = arith.constant 0 : i32
        %dma_wait3A_192 = tpu.memref_slice %arg8[%run_scoped3A_168, %dma_wait3A_190, %dma_wait3A_191] : memref<3x80x128xf32, #tpu.memory_space<vmem>> -> memref<1x80x128xf32, #tpu.memory_space<vmem>>
        %dma_wait3A_193 = tpu.memref_squeeze %dma_wait3A_192 : memref<1x80x128xf32, #tpu.memory_space<vmem>> -> memref<80x128xf32, #tpu.memory_space<vmem>>
        tpu.wait_dma2 semaphore(%run_scoped3A_169 : memref<!tpu.dma_semaphore, #tpu.memory_space<semaphore_mem>>) src(%dma_wait3A_193 : memref<80x128xf32, #tpu.memory_space<vmem>>) dst(%dma_wait3A_189 : memref<80x128xf32, #tpu.memory_space<vmem_shared>>)
        tpu.yield
      }) : () -> ()
    }
    %while3A_68 = arith.constant 1 : i32
    scf.for %while3A_163 = %while3A_66 to %while3A_62 step %while3A_68  : i32 {
      %mul3A = arith.constant 16 : i32
      %mul3A_164 = arith.muli %while3A_163, %mul3A : i32
      %add3A_165 = arith.addi %arg1, %mul3A_164 : i32
      %mul3A_166 = arith.constant 80 : i32
      %mul3A_167 = arith.muli %add3A_165, %mul3A_166 : i32
      %run_scoped3A_168 = arith.constant 2 : i32
      "tpu.region"() ({
        %run_scoped3A_169 = tpu.sem_alloc : memref<!tpu.dma_semaphore, #tpu.memory_space<semaphore_mem>>
        %dma_start3A_170 = arith.constant 0 : i32
        %dma_start3A_171 = arith.constant 0 : i32
        %dma_start3A_172 = tpu.memref_slice %arg8[%run_scoped3A_168, %dma_start3A_170, %dma_start3A_171] : memref<3x80x128xf32, #tpu.memory_space<vmem>> -> memref<1x80x128xf32, #tpu.memory_space<vmem>>
        %dma_start3A_173 = tpu.memref_squeeze %dma_start3A_172 : memref<1x80x128xf32, #tpu.memory_space<vmem>> -> memref<80x128xf32, #tpu.memory_space<vmem>>
        %dma_start3A_174 = arith.constant 0 : i32
        %dma_start3A_175 = tpu.memref_slice %arg9[%mul3A_167, %dma_start3A_174] : memref<10000x128xf32, #tpu.memory_space<vmem_shared>> -> memref<80x128xf32, #tpu.memory_space<vmem_shared>>
        %dma_start3A_176 = arith.constant 0 : i32
        %dma_start3A_177 = tpu.memref_slice %arg9[%mul3A_167, %dma_start3A_176] : memref<10000x128xf32, #tpu.memory_space<vmem_shared>> -> memref<80x128xf32, #tpu.memory_space<vmem_shared>>
        %dma_start3A_178 = arith.constant 0 : i32
        %dma_start3A_179 = arith.constant 0 : i32
        %dma_start3A_180 = tpu.memref_slice %arg8[%run_scoped3A_168, %dma_start3A_178, %dma_start3A_179] : memref<3x80x128xf32, #tpu.memory_space<vmem>> -> memref<1x80x128xf32, #tpu.memory_space<vmem>>
        %dma_start3A_181 = tpu.memref_squeeze %dma_start3A_180 : memref<1x80x128xf32, #tpu.memory_space<vmem>> -> memref<80x128xf32, #tpu.memory_space<vmem>>
        tpu.enqueue_dma source(%dma_start3A_181 : memref<80x128xf32, #tpu.memory_space<vmem>>) target(%dma_start3A_177 : memref<80x128xf32, #tpu.memory_space<vmem_shared>>) target_semaphore(%run_scoped3A_169 : memref<!tpu.dma_semaphore, #tpu.memory_space<semaphore_mem>>)
        %dma_wait3A_182 = arith.constant 0 : i32
        %dma_wait3A_183 = arith.constant 0 : i32
        %dma_wait3A_184 = tpu.memref_slice %arg8[%run_scoped3A_168, %dma_wait3A_182, %dma_wait3A_183] : memref<3x80x128xf32, #tpu.memory_space<vmem>> -> memref<1x80x128xf32, #tpu.memory_space<vmem>>
        %dma_wait3A_185 = tpu.memref_squeeze %dma_wait3A_184 : memref<1x80x128xf32, #tpu.memory_space<vmem>> -> memref<80x128xf32, #tpu.memory_space<vmem>>
        %dma_wait3A_186 = arith.constant 0 : i32
        %dma_wait3A_187 = tpu.memref_slice %arg9[%mul3A_167, %dma_wait3A_186] : memref<10000x128xf32, #tpu.memory_space<vmem_shared>> -> memref<80x128xf32, #tpu.memory_space<vmem_shared>>
        %dma_wait3A_188 = arith.constant 0 : i32
        %dma_wait3A_189 = tpu.memref_slice %arg9[%mul3A_167, %dma_wait3A_188] : memref<10000x128xf32, #tpu.memory_space<vmem_shared>> -> memref<80x128xf32, #tpu.memory_space<vmem_shared>>
        %dma_wait3A_190 = arith.constant 0 : i32
        %dma_wait3A_191 = arith.constant 0 : i32
        %dma_wait3A_192 = tpu.memref_slice %arg8[%run_scoped3A_168, %dma_wait3A_190, %dma_wait3A_191] : memref<3x80x128xf32, #tpu.memory_space<vmem>> -> memref<1x80x128xf32, #tpu.memory_space<vmem>>
        %dma_wait3A_193 = tpu.memref_squeeze %dma_wait3A_192 : memref<1x80x128xf32, #tpu.memory_space<vmem>> -> memref<80x128xf32, #tpu.memory_space<vmem>>
        tpu.wait_dma2 semaphore(%run_scoped3A_169 : memref<!tpu.dma_semaphore, #tpu.memory_space<semaphore_mem>>) src(%dma_wait3A_193 : memref<80x128xf32, #tpu.memory_space<vmem>>) dst(%dma_wait3A_189 : memref<80x128xf32, #tpu.memory_space<vmem_shared>>)
        tpu.yield
      }) : () -> ()
    }
    %barrier3A = arith.constant 0 : index
    tpu.barrier barrier_id(%barrier3A)
    %scan3A_69 = arith.constant 0 : i32
    %scan3A_70 = arith.constant 0 : i32
    %scan3A_71 = arith.constant 125 : i32
    %scan3A_72 = arith.addi %scan3A_70, %scan3A_71 : i32
    %scan3A_73 = arith.constant 1 : i32
    scf.for %scan3A_163 = %scan3A_70 to %scan3A_72 step %scan3A_73  : i32 {
      %jit3A_164 = arith.constant 25 : i32
      %div3A_165 = arith.divsi %scan3A_163, %jit3A_164 : i32
      %sign3A_166 = arith.constant 0 : i32
      %sign3A_167 = arith.cmpi sgt, %scan3A_163, %sign3A_166 : i32
      %sign3A_168 = arith.extui %sign3A_167 : i1 to i32
      %sign3A_169 = arith.constant 0 : i32
      %sign3A_170 = arith.cmpi slt, %scan3A_163, %sign3A_169 : i32
      %sign3A_171 = arith.extui %sign3A_170 : i1 to i32
      %sign3A_172 = arith.subi %sign3A_168, %sign3A_171 : i32
      %sign3A_173 = arith.constant 0 : i32
      %sign3A_174 = arith.cmpi sgt, %jit3A_164, %sign3A_173 : i32
      %sign3A_175 = arith.extui %sign3A_174 : i1 to i32
      %sign3A_176 = arith.constant 0 : i32
      %sign3A_177 = arith.cmpi slt, %jit3A_164, %sign3A_176 : i32
      %sign3A_178 = arith.extui %sign3A_177 : i1 to i32
      %sign3A_179 = arith.subi %sign3A_175, %sign3A_178 : i32
      %ne3A_180 = arith.cmpi ne, %sign3A_172, %sign3A_179 : i32
      %rem3A_181 = arith.remsi %scan3A_163, %jit3A_164 : i32
      %ne3A_182 = arith.constant 0 : i32
      %ne3A_183 = arith.cmpi ne, %rem3A_181, %ne3A_182 : i32
      %and3A_184 = arith.andi %ne3A_180, %ne3A_183 : i1
      %sub3A_185 = arith.constant 1 : i32
      %sub3A_186 = arith.subi %div3A_165, %sub3A_185 : i32
      %select_n3A_187 = arith.select %and3A_184, %sub3A_186, %div3A_165 : i32
      %jit3A_188 = arith.constant 25 : i32
      %eq3A = arith.constant 0 : i32
      %eq3A_189 = arith.cmpi eq, %jit3A_188, %eq3A : i32
      %jit3A_190 = arith.constant 1 : i32
      %select_n3A_191 = arith.select %eq3A_189, %jit3A_190, %jit3A_188 : i32
      %rem3A_192 = arith.remsi %scan3A_163, %select_n3A_191 : i32
      %ne3A_193 = arith.constant 0 : i32
      %ne3A_194 = arith.cmpi ne, %rem3A_192, %ne3A_193 : i32
      %lt3A = arith.constant 0 : i32
      %lt3A_195 = arith.cmpi slt, %rem3A_192, %lt3A : i32
      %lt3A_196 = arith.constant 0 : i32
      %lt3A_197 = arith.cmpi slt, %select_n3A_191, %lt3A_196 : i32
      %ne3A_198 = arith.xori %lt3A_195, %lt3A_197 : i1
      %and3A_199 = arith.andi %ne3A_198, %ne3A_194 : i1
      %add3A_200 = arith.addi %rem3A_192, %select_n3A_191 : i32
      %select_n3A_201 = arith.select %and3A_199, %add3A_200, %rem3A_192 : i32
      %jit3A_202 = arith.constant 2 : i32
      %eq3A_203 = arith.constant 0 : i32
      %eq3A_204 = arith.cmpi eq, %jit3A_202, %eq3A_203 : i32
      %jit3A_205 = arith.constant 1 : i32
      %select_n3A_206 = arith.select %eq3A_204, %jit3A_205, %jit3A_202 : i32
      %rem3A_207 = arith.remsi %select_n3A_187, %select_n3A_206 : i32
      %ne3A_208 = arith.constant 0 : i32
      %ne3A_209 = arith.cmpi ne, %rem3A_207, %ne3A_208 : i32
      %lt3A_210 = arith.constant 0 : i32
      %lt3A_211 = arith.cmpi slt, %rem3A_207, %lt3A_210 : i32
      %lt3A_212 = arith.constant 0 : i32
      %lt3A_213 = arith.cmpi slt, %select_n3A_206, %lt3A_212 : i32
      %ne3A_214 = arith.xori %lt3A_211, %lt3A_213 : i1
      %and3A_215 = arith.andi %ne3A_214, %ne3A_209 : i1
      %add3A_216 = arith.addi %rem3A_207, %select_n3A_206 : i32
      %select_n3A_217 = arith.select %and3A_215, %add3A_216, %rem3A_207 : i32
      %jit3A_218 = arith.constant 3 : i32
      %eq3A_219 = arith.constant 0 : i32
      %eq3A_220 = arith.cmpi eq, %jit3A_218, %eq3A_219 : i32
      %jit3A_221 = arith.constant 1 : i32
      %select_n3A_222 = arith.select %eq3A_220, %jit3A_221, %jit3A_218 : i32
      %rem3A_223 = arith.remsi %scan3A_163, %select_n3A_222 : i32
      %ne3A_224 = arith.constant 0 : i32
      %ne3A_225 = arith.cmpi ne, %rem3A_223, %ne3A_224 : i32
      %lt3A_226 = arith.constant 0 : i32
      %lt3A_227 = arith.cmpi slt, %rem3A_223, %lt3A_226 : i32
      %lt3A_228 = arith.constant 0 : i32
      %lt3A_229 = arith.cmpi slt, %select_n3A_222, %lt3A_228 : i32
      %ne3A_230 = arith.xori %lt3A_227, %lt3A_229 : i1
      %and3A_231 = arith.andi %ne3A_230, %ne3A_225 : i1
      %add3A_232 = arith.addi %rem3A_223, %select_n3A_222 : i32
      %select_n3A_233 = arith.select %and3A_231, %add3A_232, %rem3A_223 : i32
      %eq3A_234 = arith.constant 0 : i32
      %eq3A_235 = arith.cmpi eq, %select_n3A_201, %eq3A_234 : i32
      %add3A_236 = arith.constant 1 : i32
      %add3A_237 = arith.addi %select_n3A_187, %add3A_236 : i32
      %lt3A_238 = arith.constant 5 : i32
      %lt3A_239 = arith.cmpi slt, %add3A_237, %lt3A_238 : i32
      %and3A_240 = arith.andi %eq3A_235, %lt3A_239 : i1
      %convert_element_type3A = arith.extui %and3A_240 : i1 to i32
      %cond3A = arith.constant 0 : i32
      %cond3A_241 = arith.cmpi ne, %convert_element_type3A, %cond3A : i32
      scf.if %cond3A_241 {
        %add3A_285 = arith.constant 1 : i32
        %add3A_286 = arith.addi %select_n3A_187, %add3A_285 : i32
        %sub3A_287 = arith.constant 1 : i32
        %sub3A_288 = arith.subi %sub3A_287, %select_n3A_217 : i32
        %dma_start3A_289 = arith.constant 0 : i32
        %dma_start3A_290 = arith.constant 0 : i32
        %dma_start3A_291 = arith.constant 0 : i32
        %dma_start3A_292 = tpu.memref_slice %arg6[%sub3A_288, %dma_start3A_290, %dma_start3A_291] : memref<2x25x80xi32, #tpu.memory_space<vmem>> -> memref<1x25x80xi32, #tpu.memory_space<vmem>>
        %dma_start3A_293 = tpu.memref_squeeze %dma_start3A_292 : memref<1x25x80xi32, #tpu.memory_space<vmem>> -> memref<25x80xi32, #tpu.memory_space<vmem>>
        %dma_start3A_294 = arith.constant 0 : i32
        %dma_start3A_295 = arith.constant 0 : i32
        %dma_start3A_296 = tpu.memref_slice %arg3[%arg0, %arg1, %add3A_286, %dma_start3A_294, %dma_start3A_295] : memref<2x16x5x25x80xi32, #tpu.memory_space<hbm>> -> memref<1x1x1x25x80xi32, #tpu.memory_space<hbm>>
        %dma_start3A_297 = tpu.memref_squeeze %dma_start3A_296 : memref<1x1x1x25x80xi32, #tpu.memory_space<hbm>> -> memref<25x80xi32, #tpu.memory_space<hbm>>
        %dma_start3A_298 = tpu.memref_slice %arg11[%dma_start3A_289] : memref<2x!tpu.dma_semaphore, #tpu.memory_space<semaphore_mem>> -> memref<1x!tpu.dma_semaphore, #tpu.memory_space<semaphore_mem>>
        %dma_start3A_299 = tpu.memref_squeeze %dma_start3A_298 : memref<1x!tpu.dma_semaphore, #tpu.memory_space<semaphore_mem>> -> memref<!tpu.dma_semaphore, #tpu.memory_space<semaphore_mem>>
        %dma_start3A_300 = arith.constant 0 : i32
        %dma_start3A_301 = arith.constant 0 : i32
        %dma_start3A_302 = tpu.memref_slice %arg6[%sub3A_288, %dma_start3A_300, %dma_start3A_301] : memref<2x25x80xi32, #tpu.memory_space<vmem>> -> memref<1x25x80xi32, #tpu.memory_space<vmem>>
        %dma_start3A_303 = tpu.memref_squeeze %dma_start3A_302 : memref<1x25x80xi32, #tpu.memory_space<vmem>> -> memref<25x80xi32, #tpu.memory_space<vmem>>
        %dma_start3A_304 = arith.constant 0 : i32
        %dma_start3A_305 = arith.constant 0 : i32
        %dma_start3A_306 = tpu.memref_slice %arg3[%arg0, %arg1, %add3A_286, %dma_start3A_304, %dma_start3A_305] : memref<2x16x5x25x80xi32, #tpu.memory_space<hbm>> -> memref<1x1x1x25x80xi32, #tpu.memory_space<hbm>>
        %dma_start3A_307 = tpu.memref_squeeze %dma_start3A_306 : memref<1x1x1x25x80xi32, #tpu.memory_space<hbm>> -> memref<25x80xi32, #tpu.memory_space<hbm>>
        tpu.enqueue_dma source(%dma_start3A_307 : memref<25x80xi32, #tpu.memory_space<hbm>>) target(%dma_start3A_303 : memref<25x80xi32, #tpu.memory_space<vmem>>) target_semaphore(%dma_start3A_299 : memref<!tpu.dma_semaphore, #tpu.memory_space<semaphore_mem>>)
        %dma_start3A_308 = arith.constant 1 : i32
        %dma_start3A_309 = arith.constant 0 : i32
        %dma_start3A_310 = arith.constant 0 : i32
        %dma_start3A_311 = tpu.memref_slice %arg7[%sub3A_288, %dma_start3A_309, %dma_start3A_310] : memref<2x25x80xi32, #tpu.memory_space<vmem>> -> memref<1x25x80xi32, #tpu.memory_space<vmem>>
        %dma_start3A_312 = tpu.memref_squeeze %dma_start3A_311 : memref<1x25x80xi32, #tpu.memory_space<vmem>> -> memref<25x80xi32, #tpu.memory_space<vmem>>
        %dma_start3A_313 = arith.constant 0 : i32
        %dma_start3A_314 = arith.constant 0 : i32
        %dma_start3A_315 = tpu.memref_slice %arg4[%arg0, %arg1, %add3A_286, %dma_start3A_313, %dma_start3A_314] : memref<2x16x5x25x80xi32, #tpu.memory_space<hbm>> -> memref<1x1x1x25x80xi32, #tpu.memory_space<hbm>>
        %dma_start3A_316 = tpu.memref_squeeze %dma_start3A_315 : memref<1x1x1x25x80xi32, #tpu.memory_space<hbm>> -> memref<25x80xi32, #tpu.memory_space<hbm>>
        %dma_start3A_317 = tpu.memref_slice %arg11[%dma_start3A_308] : memref<2x!tpu.dma_semaphore, #tpu.memory_space<semaphore_mem>> -> memref<1x!tpu.dma_semaphore, #tpu.memory_space<semaphore_mem>>
        %dma_start3A_318 = tpu.memref_squeeze %dma_start3A_317 : memref<1x!tpu.dma_semaphore, #tpu.memory_space<semaphore_mem>> -> memref<!tpu.dma_semaphore, #tpu.memory_space<semaphore_mem>>
        %dma_start3A_319 = arith.constant 0 : i32
        %dma_start3A_320 = arith.constant 0 : i32
        %dma_start3A_321 = tpu.memref_slice %arg7[%sub3A_288, %dma_start3A_319, %dma_start3A_320] : memref<2x25x80xi32, #tpu.memory_space<vmem>> -> memref<1x25x80xi32, #tpu.memory_space<vmem>>
        %dma_start3A_322 = tpu.memref_squeeze %dma_start3A_321 : memref<1x25x80xi32, #tpu.memory_space<vmem>> -> memref<25x80xi32, #tpu.memory_space<vmem>>
        %dma_start3A_323 = arith.constant 0 : i32
        %dma_start3A_324 = arith.constant 0 : i32
        %dma_start3A_325 = tpu.memref_slice %arg4[%arg0, %arg1, %add3A_286, %dma_start3A_323, %dma_start3A_324] : memref<2x16x5x25x80xi32, #tpu.memory_space<hbm>> -> memref<1x1x1x25x80xi32, #tpu.memory_space<hbm>>
        %dma_start3A_326 = tpu.memref_squeeze %dma_start3A_325 : memref<1x1x1x25x80xi32, #tpu.memory_space<hbm>> -> memref<25x80xi32, #tpu.memory_space<hbm>>
        tpu.enqueue_dma source(%dma_start3A_326 : memref<25x80xi32, #tpu.memory_space<hbm>>) target(%dma_start3A_322 : memref<25x80xi32, #tpu.memory_space<vmem>>) target_semaphore(%dma_start3A_318 : memref<!tpu.dma_semaphore, #tpu.memory_space<semaphore_mem>>)
      } else {
      }
      %dma_wait3A_242 = arith.constant 0 : i32
      %dma_wait3A_243 = arith.constant 0 : i32
      %dma_wait3A_244 = tpu.memref_slice %arg8[%select_n3A_233, %dma_wait3A_242, %dma_wait3A_243] : memref<3x80x128xf32, #tpu.memory_space<vmem>> -> memref<1x80x128xf32, #tpu.memory_space<vmem>>
      %dma_wait3A_245 = tpu.memref_squeeze %dma_wait3A_244 : memref<1x80x128xf32, #tpu.memory_space<vmem>> -> memref<80x128xf32, #tpu.memory_space<vmem>>
      %dma_wait3A_246 = arith.constant 0 : i32
      %dma_wait3A_247 = tpu.memref_slice %arg6[%select_n3A_217, %select_n3A_201, %dma_wait3A_246] : memref<2x25x80xi32, #tpu.memory_space<vmem>> -> memref<1x1x80xi32, #tpu.memory_space<vmem>>
      %dma_wait3A_248 = tpu.memref_squeeze %dma_wait3A_247 : memref<1x1x80xi32, #tpu.memory_space<vmem>> -> memref<80xi32, #tpu.memory_space<vmem>>
      %dma_wait3A_249 = arith.constant 0 : i32
      %dma_wait3A_250 = arith.constant 0 : i32
      %dma_wait3A_251 = tpu.memref_slice %arg2[%dma_wait3A_249, %dma_wait3A_250] : memref<10000x128xf32, #tpu.memory_space<hbm>> -> memref<10000x128xf32, #tpu.memory_space<hbm>>
      %dma_wait3A_252 = tpu.memref_slice %arg10[%select_n3A_233] : memref<3x!tpu.dma_semaphore, #tpu.memory_space<semaphore_mem>> -> memref<1x!tpu.dma_semaphore, #tpu.memory_space<semaphore_mem>>
      %dma_wait3A_253 = tpu.memref_squeeze %dma_wait3A_252 : memref<1x!tpu.dma_semaphore, #tpu.memory_space<semaphore_mem>> -> memref<!tpu.dma_semaphore, #tpu.memory_space<semaphore_mem>>
      tpu.wait_indirect_dma semaphore(%dma_wait3A_253 : memref<!tpu.dma_semaphore, #tpu.memory_space<semaphore_mem>>) src(%dma_wait3A_251 : memref<10000x128xf32, #tpu.memory_space<hbm>>) dst(%dma_wait3A_245 : memref<80x128xf32, #tpu.memory_space<vmem>>)
      %eq3A_254 = arith.constant 22 : i32
      %eq3A_255 = arith.cmpi eq, %select_n3A_201, %eq3A_254 : i32
      %add3A_256 = arith.constant 1 : i32
      %add3A_257 = arith.addi %select_n3A_187, %add3A_256 : i32
      %lt3A_258 = arith.constant 5 : i32
      %lt3A_259 = arith.cmpi slt, %add3A_257, %lt3A_258 : i32
      %and3A_260 = arith.andi %eq3A_255, %lt3A_259 : i1
      %convert_element_type3A_261 = arith.extui %and3A_260 : i1 to i32
      %cond3A_262 = arith.constant 0 : i32
      %cond3A_263 = arith.cmpi ne, %convert_element_type3A_261, %cond3A_262 : i32
      scf.if %cond3A_263 {
        %add3A_285 = arith.constant 1 : i32
        %add3A_286 = arith.addi %select_n3A_187, %add3A_285 : i32
        %sub3A_287 = arith.constant 1 : i32
        %sub3A_288 = arith.subi %sub3A_287, %select_n3A_217 : i32
        %dma_wait3A_289 = arith.constant 0 : i32
        %dma_wait3A_290 = arith.constant 0 : i32
        %dma_wait3A_291 = arith.constant 0 : i32
        %dma_wait3A_292 = tpu.memref_slice %arg6[%sub3A_288, %dma_wait3A_290, %dma_wait3A_291] : memref<2x25x80xi32, #tpu.memory_space<vmem>> -> memref<1x25x80xi32, #tpu.memory_space<vmem>>
        %dma_wait3A_293 = tpu.memref_squeeze %dma_wait3A_292 : memref<1x25x80xi32, #tpu.memory_space<vmem>> -> memref<25x80xi32, #tpu.memory_space<vmem>>
        %dma_wait3A_294 = arith.constant 0 : i32
        %dma_wait3A_295 = arith.constant 0 : i32
        %dma_wait3A_296 = tpu.memref_slice %arg3[%arg0, %arg1, %add3A_286, %dma_wait3A_294, %dma_wait3A_295] : memref<2x16x5x25x80xi32, #tpu.memory_space<hbm>> -> memref<1x1x1x25x80xi32, #tpu.memory_space<hbm>>
        %dma_wait3A_297 = tpu.memref_squeeze %dma_wait3A_296 : memref<1x1x1x25x80xi32, #tpu.memory_space<hbm>> -> memref<25x80xi32, #tpu.memory_space<hbm>>
        %dma_wait3A_298 = tpu.memref_slice %arg11[%dma_wait3A_289] : memref<2x!tpu.dma_semaphore, #tpu.memory_space<semaphore_mem>> -> memref<1x!tpu.dma_semaphore, #tpu.memory_space<semaphore_mem>>
        %dma_wait3A_299 = tpu.memref_squeeze %dma_wait3A_298 : memref<1x!tpu.dma_semaphore, #tpu.memory_space<semaphore_mem>> -> memref<!tpu.dma_semaphore, #tpu.memory_space<semaphore_mem>>
        %dma_wait3A_300 = arith.constant 0 : i32
        %dma_wait3A_301 = arith.constant 0 : i32
        %dma_wait3A_302 = tpu.memref_slice %arg6[%sub3A_288, %dma_wait3A_300, %dma_wait3A_301] : memref<2x25x80xi32, #tpu.memory_space<vmem>> -> memref<1x25x80xi32, #tpu.memory_space<vmem>>
        %dma_wait3A_303 = tpu.memref_squeeze %dma_wait3A_302 : memref<1x25x80xi32, #tpu.memory_space<vmem>> -> memref<25x80xi32, #tpu.memory_space<vmem>>
        %dma_wait3A_304 = arith.constant 0 : i32
        %dma_wait3A_305 = arith.constant 0 : i32
        %dma_wait3A_306 = tpu.memref_slice %arg3[%arg0, %arg1, %add3A_286, %dma_wait3A_304, %dma_wait3A_305] : memref<2x16x5x25x80xi32, #tpu.memory_space<hbm>> -> memref<1x1x1x25x80xi32, #tpu.memory_space<hbm>>
        %dma_wait3A_307 = tpu.memref_squeeze %dma_wait3A_306 : memref<1x1x1x25x80xi32, #tpu.memory_space<hbm>> -> memref<25x80xi32, #tpu.memory_space<hbm>>
        tpu.wait_dma2 semaphore(%dma_wait3A_299 : memref<!tpu.dma_semaphore, #tpu.memory_space<semaphore_mem>>) src(%dma_wait3A_307 : memref<25x80xi32, #tpu.memory_space<hbm>>) dst(%dma_wait3A_303 : memref<25x80xi32, #tpu.memory_space<vmem>>)
        %dma_wait3A_308 = arith.constant 1 : i32
        %dma_wait3A_309 = arith.constant 0 : i32
        %dma_wait3A_310 = arith.constant 0 : i32
        %dma_wait3A_311 = tpu.memref_slice %arg7[%sub3A_288, %dma_wait3A_309, %dma_wait3A_310] : memref<2x25x80xi32, #tpu.memory_space<vmem>> -> memref<1x25x80xi32, #tpu.memory_space<vmem>>
        %dma_wait3A_312 = tpu.memref_squeeze %dma_wait3A_311 : memref<1x25x80xi32, #tpu.memory_space<vmem>> -> memref<25x80xi32, #tpu.memory_space<vmem>>
        %dma_wait3A_313 = arith.constant 0 : i32
        %dma_wait3A_314 = arith.constant 0 : i32
        %dma_wait3A_315 = tpu.memref_slice %arg4[%arg0, %arg1, %add3A_286, %dma_wait3A_313, %dma_wait3A_314] : memref<2x16x5x25x80xi32, #tpu.memory_space<hbm>> -> memref<1x1x1x25x80xi32, #tpu.memory_space<hbm>>
        %dma_wait3A_316 = tpu.memref_squeeze %dma_wait3A_315 : memref<1x1x1x25x80xi32, #tpu.memory_space<hbm>> -> memref<25x80xi32, #tpu.memory_space<hbm>>
        %dma_wait3A_317 = tpu.memref_slice %arg11[%dma_wait3A_308] : memref<2x!tpu.dma_semaphore, #tpu.memory_space<semaphore_mem>> -> memref<1x!tpu.dma_semaphore, #tpu.memory_space<semaphore_mem>>
        %dma_wait3A_318 = tpu.memref_squeeze %dma_wait3A_317 : memref<1x!tpu.dma_semaphore, #tpu.memory_space<semaphore_mem>> -> memref<!tpu.dma_semaphore, #tpu.memory_space<semaphore_mem>>
        %dma_wait3A_319 = arith.constant 0 : i32
        %dma_wait3A_320 = arith.constant 0 : i32
        %dma_wait3A_321 = tpu.memref_slice %arg7[%sub3A_288, %dma_wait3A_319, %dma_wait3A_320] : memref<2x25x80xi32, #tpu.memory_space<vmem>> -> memref<1x25x80xi32, #tpu.memory_space<vmem>>
        %dma_wait3A_322 = tpu.memref_squeeze %dma_wait3A_321 : memref<1x25x80xi32, #tpu.memory_space<vmem>> -> memref<25x80xi32, #tpu.memory_space<vmem>>
        %dma_wait3A_323 = arith.constant 0 : i32
        %dma_wait3A_324 = arith.constant 0 : i32
        %dma_wait3A_325 = tpu.memref_slice %arg4[%arg0, %arg1, %add3A_286, %dma_wait3A_323, %dma_wait3A_324] : memref<2x16x5x25x80xi32, #tpu.memory_space<hbm>> -> memref<1x1x1x25x80xi32, #tpu.memory_space<hbm>>
        %dma_wait3A_326 = tpu.memref_squeeze %dma_wait3A_325 : memref<1x1x1x25x80xi32, #tpu.memory_space<hbm>> -> memref<25x80xi32, #tpu.memory_space<hbm>>
        tpu.wait_dma2 semaphore(%dma_wait3A_318 : memref<!tpu.dma_semaphore, #tpu.memory_space<semaphore_mem>>) src(%dma_wait3A_326 : memref<25x80xi32, #tpu.memory_space<hbm>>) dst(%dma_wait3A_322 : memref<25x80xi32, #tpu.memory_space<vmem>>)
      } else {
      }
      %add3A_264 = arith.constant 3 : i32
      %add3A_265 = arith.addi %scan3A_163, %add3A_264 : i32
      %sub3A_266 = arith.constant 1 : i32
      %sub3A_267 = arith.subi %add3A_265, %sub3A_266 : i32
      %lt3A_268 = arith.constant 125 : i32
      %lt3A_269 = arith.cmpi slt, %sub3A_267, %lt3A_268 : i32
      %convert_element_type3A_270 = arith.extui %lt3A_269 : i1 to i32
      %cond3A_271 = arith.constant 0 : i32
      %cond3A_272 = arith.cmpi ne, %convert_element_type3A_270, %cond3A_271 : i32
      scf.if %cond3A_272 {
        %gt3A = arith.constant 0 : i32
        %gt3A_285 = arith.cmpi sgt, %scan3A_163, %gt3A : i32
        %convert_element_type3A_286 = arith.extui %gt3A_285 : i1 to i32
        %cond3A_287 = arith.constant 0 : i32
        %cond3A_288 = arith.cmpi ne, %convert_element_type3A_286, %cond3A_287 : i32
        scf.if %cond3A_288 {
          %sub3A_381 = arith.constant 1 : i32
          %sub3A_382 = arith.subi %scan3A_163, %sub3A_381 : i32
          %jit3A_383 = arith.constant 3 : i32
          %eq3A_384 = arith.constant 0 : i32
          %eq3A_385 = arith.cmpi eq, %jit3A_383, %eq3A_384 : i32
          %jit3A_386 = arith.constant 1 : i32
          %select_n3A_387 = arith.select %eq3A_385, %jit3A_386, %jit3A_383 : i32
          %rem3A_388 = arith.remsi %sub3A_382, %select_n3A_387 : i32
          %ne3A_389 = arith.constant 0 : i32
          %ne3A_390 = arith.cmpi ne, %rem3A_388, %ne3A_389 : i32
          %lt3A_391 = arith.constant 0 : i32
          %lt3A_392 = arith.cmpi slt, %rem3A_388, %lt3A_391 : i32
          %lt3A_393 = arith.constant 0 : i32
          %lt3A_394 = arith.cmpi slt, %select_n3A_387, %lt3A_393 : i32
          %ne3A_395 = arith.xori %lt3A_392, %lt3A_394 : i1
          %and3A_396 = arith.andi %ne3A_395, %ne3A_390 : i1
          %add3A_397 = arith.addi %rem3A_388, %select_n3A_387 : i32
          %select_n3A_398 = arith.select %and3A_396, %add3A_397, %rem3A_388 : i32
          %sub3A_399 = arith.constant 1 : i32
          %sub3A_400 = arith.subi %scan3A_163, %sub3A_399 : i32
          %jit3A_401 = arith.constant 3 : i32
          %eq3A_402 = arith.constant 0 : i32
          %eq3A_403 = arith.cmpi eq, %jit3A_401, %eq3A_402 : i32
          %jit3A_404 = arith.constant 1 : i32
          %select_n3A_405 = arith.select %eq3A_403, %jit3A_404, %jit3A_401 : i32
          %rem3A_406 = arith.remsi %sub3A_400, %select_n3A_405 : i32
          %ne3A_407 = arith.constant 0 : i32
          %ne3A_408 = arith.cmpi ne, %rem3A_406, %ne3A_407 : i32
          %lt3A_409 = arith.constant 0 : i32
          %lt3A_410 = arith.cmpi slt, %rem3A_406, %lt3A_409 : i32
          %lt3A_411 = arith.constant 0 : i32
          %lt3A_412 = arith.cmpi slt, %select_n3A_405, %lt3A_411 : i32
          %ne3A_413 = arith.xori %lt3A_410, %lt3A_412 : i1
          %and3A_414 = arith.andi %ne3A_413, %ne3A_408 : i1
          %add3A_415 = arith.addi %rem3A_406, %select_n3A_405 : i32
          %select_n3A_416 = arith.select %and3A_414, %add3A_415, %rem3A_406 : i32
          %dma_wait3A_417 = arith.constant 0 : i32
          %dma_wait3A_418 = arith.constant 0 : i32
          %dma_wait3A_419 = arith.constant 0 : i32
          %dma_wait3A_420 = arith.constant 0 : i32
          %dma_wait3A_421 = tpu.memref_slice %arg8[%select_n3A_398, %dma_wait3A_419, %dma_wait3A_420] : memref<3x80x128xf32, #tpu.memory_space<vmem>> -> memref<1x80x128xf32, #tpu.memory_space<vmem>>
          %dma_wait3A_422 = tpu.memref_squeeze %dma_wait3A_421 : memref<1x80x128xf32, #tpu.memory_space<vmem>> -> memref<80x128xf32, #tpu.memory_space<vmem>>
          %dma_wait3A_423 = arith.constant 0 : i32
          %dma_wait3A_424 = tpu.memref_slice %arg7[%dma_wait3A_417, %dma_wait3A_418, %dma_wait3A_423] : memref<2x25x80xi32, #tpu.memory_space<vmem>> -> memref<1x1x80xi32, #tpu.memory_space<vmem>>
          %dma_wait3A_425 = tpu.memref_squeeze %dma_wait3A_424 : memref<1x1x80xi32, #tpu.memory_space<vmem>> -> memref<80xi32, #tpu.memory_space<vmem>>
          %dma_wait3A_426 = arith.constant 0 : i32
          %dma_wait3A_427 = arith.constant 0 : i32
          %dma_wait3A_428 = tpu.memref_slice %arg9[%dma_wait3A_426, %dma_wait3A_427] : memref<10000x128xf32, #tpu.memory_space<vmem_shared>> -> memref<10000x128xf32, #tpu.memory_space<vmem_shared>>
          %dma_wait3A_429 = tpu.memref_slice %arg12[%select_n3A_416] : memref<3x!tpu.dma_semaphore, #tpu.memory_space<semaphore_mem>> -> memref<1x!tpu.dma_semaphore, #tpu.memory_space<semaphore_mem>>
          %dma_wait3A_430 = tpu.memref_squeeze %dma_wait3A_429 : memref<1x!tpu.dma_semaphore, #tpu.memory_space<semaphore_mem>> -> memref<!tpu.dma_semaphore, #tpu.memory_space<semaphore_mem>>
          tpu.wait_indirect_dma semaphore(%dma_wait3A_430 : memref<!tpu.dma_semaphore, #tpu.memory_space<semaphore_mem>>) src(%dma_wait3A_422 : memref<80x128xf32, #tpu.memory_space<vmem>>) dst(%dma_wait3A_428 : memref<10000x128xf32, #tpu.memory_space<vmem_shared>>)
        } else {
        }
        %add3A_289 = arith.constant 3 : i32
        %add3A_290 = arith.addi %scan3A_163, %add3A_289 : i32
        %sub3A_291 = arith.constant 1 : i32
        %sub3A_292 = arith.subi %add3A_290, %sub3A_291 : i32
        %add3A_293 = arith.constant 3 : i32
        %add3A_294 = arith.addi %scan3A_163, %add3A_293 : i32
        %sub3A_295 = arith.constant 1 : i32
        %sub3A_296 = arith.subi %add3A_294, %sub3A_295 : i32
        %jit3A_297 = arith.constant 3 : i32
        %eq3A_298 = arith.constant 0 : i32
        %eq3A_299 = arith.cmpi eq, %jit3A_297, %eq3A_298 : i32
        %jit3A_300 = arith.constant 1 : i32
        %select_n3A_301 = arith.select %eq3A_299, %jit3A_300, %jit3A_297 : i32
        %rem3A_302 = arith.remsi %sub3A_296, %select_n3A_301 : i32
        %ne3A_303 = arith.constant 0 : i32
        %ne3A_304 = arith.cmpi ne, %rem3A_302, %ne3A_303 : i32
        %lt3A_305 = arith.constant 0 : i32
        %lt3A_306 = arith.cmpi slt, %rem3A_302, %lt3A_305 : i32
        %lt3A_307 = arith.constant 0 : i32
        %lt3A_308 = arith.cmpi slt, %select_n3A_301, %lt3A_307 : i32
        %ne3A_309 = arith.xori %lt3A_306, %lt3A_308 : i1
        %and3A_310 = arith.andi %ne3A_309, %ne3A_304 : i1
        %add3A_311 = arith.addi %rem3A_302, %select_n3A_301 : i32
        %select_n3A_312 = arith.select %and3A_310, %add3A_311, %rem3A_302 : i32
        %jit3A_313 = arith.constant 25 : i32
        %div3A_314 = arith.divsi %sub3A_292, %jit3A_313 : i32
        %sign3A_315 = arith.constant 0 : i32
        %sign3A_316 = arith.cmpi sgt, %sub3A_292, %sign3A_315 : i32
        %sign3A_317 = arith.extui %sign3A_316 : i1 to i32
        %sign3A_318 = arith.constant 0 : i32
        %sign3A_319 = arith.cmpi slt, %sub3A_292, %sign3A_318 : i32
        %sign3A_320 = arith.extui %sign3A_319 : i1 to i32
        %sign3A_321 = arith.subi %sign3A_317, %sign3A_320 : i32
        %sign3A_322 = arith.constant 0 : i32
        %sign3A_323 = arith.cmpi sgt, %jit3A_313, %sign3A_322 : i32
        %sign3A_324 = arith.extui %sign3A_323 : i1 to i32
        %sign3A_325 = arith.constant 0 : i32
        %sign3A_326 = arith.cmpi slt, %jit3A_313, %sign3A_325 : i32
        %sign3A_327 = arith.extui %sign3A_326 : i1 to i32
        %sign3A_328 = arith.subi %sign3A_324, %sign3A_327 : i32
        %ne3A_329 = arith.cmpi ne, %sign3A_321, %sign3A_328 : i32
        %rem3A_330 = arith.remsi %sub3A_292, %jit3A_313 : i32
        %ne3A_331 = arith.constant 0 : i32
        %ne3A_332 = arith.cmpi ne, %rem3A_330, %ne3A_331 : i32
        %and3A_333 = arith.andi %ne3A_329, %ne3A_332 : i1
        %sub3A_334 = arith.constant 1 : i32
        %sub3A_335 = arith.subi %div3A_314, %sub3A_334 : i32
        %select_n3A_336 = arith.select %and3A_333, %sub3A_335, %div3A_314 : i32
        %jit3A_337 = arith.constant 2 : i32
        %eq3A_338 = arith.constant 0 : i32
        %eq3A_339 = arith.cmpi eq, %jit3A_337, %eq3A_338 : i32
        %jit3A_340 = arith.constant 1 : i32
        %select_n3A_341 = arith.select %eq3A_339, %jit3A_340, %jit3A_337 : i32
        %rem3A_342 = arith.remsi %select_n3A_336, %select_n3A_341 : i32
        %ne3A_343 = arith.constant 0 : i32
        %ne3A_344 = arith.cmpi ne, %rem3A_342, %ne3A_343 : i32
        %lt3A_345 = arith.constant 0 : i32
        %lt3A_346 = arith.cmpi slt, %rem3A_342, %lt3A_345 : i32
        %lt3A_347 = arith.constant 0 : i32
        %lt3A_348 = arith.cmpi slt, %select_n3A_341, %lt3A_347 : i32
        %ne3A_349 = arith.xori %lt3A_346, %lt3A_348 : i1
        %and3A_350 = arith.andi %ne3A_349, %ne3A_344 : i1
        %add3A_351 = arith.addi %rem3A_342, %select_n3A_341 : i32
        %select_n3A_352 = arith.select %and3A_350, %add3A_351, %rem3A_342 : i32
        %jit3A_353 = arith.constant 25 : i32
        %eq3A_354 = arith.constant 0 : i32
        %eq3A_355 = arith.cmpi eq, %jit3A_353, %eq3A_354 : i32
        %jit3A_356 = arith.constant 1 : i32
        %select_n3A_357 = arith.select %eq3A_355, %jit3A_356, %jit3A_353 : i32
        %rem3A_358 = arith.remsi %sub3A_292, %select_n3A_357 : i32
        %ne3A_359 = arith.constant 0 : i32
        %ne3A_360 = arith.cmpi ne, %rem3A_358, %ne3A_359 : i32
        %lt3A_361 = arith.constant 0 : i32
        %lt3A_362 = arith.cmpi slt, %rem3A_358, %lt3A_361 : i32
        %lt3A_363 = arith.constant 0 : i32
        %lt3A_364 = arith.cmpi slt, %select_n3A_357, %lt3A_363 : i32
        %ne3A_365 = arith.xori %lt3A_362, %lt3A_364 : i1
        %and3A_366 = arith.andi %ne3A_365, %ne3A_360 : i1
        %add3A_367 = arith.addi %rem3A_358, %select_n3A_357 : i32
        %select_n3A_368 = arith.select %and3A_366, %add3A_367, %rem3A_358 : i32
        %dma_start3A_369 = arith.constant 0 : i32
        %dma_start3A_370 = arith.constant 0 : i32
        %dma_start3A_371 = tpu.memref_slice %arg8[%select_n3A_312, %dma_start3A_369, %dma_start3A_370] : memref<3x80x128xf32, #tpu.memory_space<vmem>> -> memref<1x80x128xf32, #tpu.memory_space<vmem>>
        %dma_start3A_372 = tpu.memref_squeeze %dma_start3A_371 : memref<1x80x128xf32, #tpu.memory_space<vmem>> -> memref<80x128xf32, #tpu.memory_space<vmem>>
        %dma_start3A_373 = arith.constant 0 : i32
        %dma_start3A_374 = tpu.memref_slice %arg6[%select_n3A_352, %select_n3A_368, %dma_start3A_373] : memref<2x25x80xi32, #tpu.memory_space<vmem>> -> memref<1x1x80xi32, #tpu.memory_space<vmem>>
        %dma_start3A_375 = tpu.memref_squeeze %dma_start3A_374 : memref<1x1x80xi32, #tpu.memory_space<vmem>> -> memref<80xi32, #tpu.memory_space<vmem>>
        %dma_start3A_376 = arith.constant 0 : i32
        %dma_start3A_377 = arith.constant 0 : i32
        %dma_start3A_378 = tpu.memref_slice %arg2[%dma_start3A_376, %dma_start3A_377] : memref<10000x128xf32, #tpu.memory_space<hbm>> -> memref<10000x128xf32, #tpu.memory_space<hbm>>
        %dma_start3A_379 = tpu.memref_slice %arg10[%select_n3A_312] : memref<3x!tpu.dma_semaphore, #tpu.memory_space<semaphore_mem>> -> memref<1x!tpu.dma_semaphore, #tpu.memory_space<semaphore_mem>>
        %dma_start3A_380 = tpu.memref_squeeze %dma_start3A_379 : memref<1x!tpu.dma_semaphore, #tpu.memory_space<semaphore_mem>> -> memref<!tpu.dma_semaphore, #tpu.memory_space<semaphore_mem>>
        tpu.enqueue_indirect_dma source(%dma_start3A_378 : memref<10000x128xf32, #tpu.memory_space<hbm>>) target(%dma_start3A_372 : memref<80x128xf32, #tpu.memory_space<vmem>>) offsets(%dma_start3A_375 : memref<80xi32, #tpu.memory_space<vmem>>) semaphore(%dma_start3A_380 : memref<!tpu.dma_semaphore, #tpu.memory_space<semaphore_mem>>)
      } else {
      }
      %dma_start3A_273 = arith.constant 0 : i32
      %dma_start3A_274 = arith.constant 0 : i32
      %dma_start3A_275 = tpu.memref_slice %arg8[%select_n3A_233, %dma_start3A_273, %dma_start3A_274] : memref<3x80x128xf32, #tpu.memory_space<vmem>> -> memref<1x80x128xf32, #tpu.memory_space<vmem>>
      %dma_start3A_276 = tpu.memref_squeeze %dma_start3A_275 : memref<1x80x128xf32, #tpu.memory_space<vmem>> -> memref<80x128xf32, #tpu.memory_space<vmem>>
      %dma_start3A_277 = arith.constant 0 : i32
      %dma_start3A_278 = tpu.memref_slice %arg7[%select_n3A_217, %select_n3A_201, %dma_start3A_277] : memref<2x25x80xi32, #tpu.memory_space<vmem>> -> memref<1x1x80xi32, #tpu.memory_space<vmem>>
      %dma_start3A_279 = tpu.memref_squeeze %dma_start3A_278 : memref<1x1x80xi32, #tpu.memory_space<vmem>> -> memref<80xi32, #tpu.memory_space<vmem>>
      %dma_start3A_280 = arith.constant 0 : i32
      %dma_start3A_281 = arith.constant 0 : i32
      %dma_start3A_282 = tpu.memref_slice %arg9[%dma_start3A_280, %dma_start3A_281] : memref<10000x128xf32, #tpu.memory_space<vmem_shared>> -> memref<10000x128xf32, #tpu.memory_space<vmem_shared>>
      %dma_start3A_283 = tpu.memref_slice %arg12[%select_n3A_233] : memref<3x!tpu.dma_semaphore, #tpu.memory_space<semaphore_mem>> -> memref<1x!tpu.dma_semaphore, #tpu.memory_space<semaphore_mem>>
      %dma_start3A_284 = tpu.memref_squeeze %dma_start3A_283 : memref<1x!tpu.dma_semaphore, #tpu.memory_space<semaphore_mem>> -> memref<!tpu.dma_semaphore, #tpu.memory_space<semaphore_mem>>
      tpu.enqueue_indirect_dma source(%dma_start3A_276 : memref<80x128xf32, #tpu.memory_space<vmem>>) target(%dma_start3A_282 : memref<10000x128xf32, #tpu.memory_space<vmem_shared>>) offsets(%dma_start3A_279 : memref<80xi32, #tpu.memory_space<vmem>>) semaphore(%dma_start3A_284 : memref<!tpu.dma_semaphore, #tpu.memory_space<semaphore_mem>>) {add = true}
    }
    %scan3A_74 = arith.constant 125 : i32
    %dma_wait3A = arith.constant 0 : i32
    %dma_wait3A_75 = arith.constant 0 : i32
    %dma_wait3A_76 = arith.constant 0 : i32
    %dma_wait3A_77 = arith.constant 0 : i32
    %dma_wait3A_78 = arith.constant 0 : i32
    %dma_wait3A_79 = arith.constant 0 : i32
    %dma_wait3A_80 = tpu.memref_slice %arg8[%dma_wait3A, %dma_wait3A_78, %dma_wait3A_79] : memref<3x80x128xf32, #tpu.memory_space<vmem>> -> memref<1x80x128xf32, #tpu.memory_space<vmem>>
    %dma_wait3A_81 = tpu.memref_squeeze %dma_wait3A_80 : memref<1x80x128xf32, #tpu.memory_space<vmem>> -> memref<80x128xf32, #tpu.memory_space<vmem>>
    %dma_wait3A_82 = arith.constant 0 : i32
    %dma_wait3A_83 = tpu.memref_slice %arg7[%dma_wait3A_75, %dma_wait3A_76, %dma_wait3A_82] : memref<2x25x80xi32, #tpu.memory_space<vmem>> -> memref<1x1x80xi32, #tpu.memory_space<vmem>>
    %dma_wait3A_84 = tpu.memref_squeeze %dma_wait3A_83 : memref<1x1x80xi32, #tpu.memory_space<vmem>> -> memref<80xi32, #tpu.memory_space<vmem>>
    %dma_wait3A_85 = arith.constant 0 : i32
    %dma_wait3A_86 = arith.constant 0 : i32
    %dma_wait3A_87 = tpu.memref_slice %arg9[%dma_wait3A_85, %dma_wait3A_86] : memref<10000x128xf32, #tpu.memory_space<vmem_shared>> -> memref<10000x128xf32, #tpu.memory_space<vmem_shared>>
    %dma_wait3A_88 = tpu.memref_slice %arg12[%dma_wait3A_77] : memref<3x!tpu.dma_semaphore, #tpu.memory_space<semaphore_mem>> -> memref<1x!tpu.dma_semaphore, #tpu.memory_space<semaphore_mem>>
    %dma_wait3A_89 = tpu.memref_squeeze %dma_wait3A_88 : memref<1x!tpu.dma_semaphore, #tpu.memory_space<semaphore_mem>> -> memref<!tpu.dma_semaphore, #tpu.memory_space<semaphore_mem>>
    tpu.wait_indirect_dma semaphore(%dma_wait3A_89 : memref<!tpu.dma_semaphore, #tpu.memory_space<semaphore_mem>>) src(%dma_wait3A_81 : memref<80x128xf32, #tpu.memory_space<vmem>>) dst(%dma_wait3A_87 : memref<10000x128xf32, #tpu.memory_space<vmem_shared>>)
    %dma_wait3A_90 = arith.constant 1 : i32
    %dma_wait3A_91 = arith.constant 0 : i32
    %dma_wait3A_92 = arith.constant 0 : i32
    %dma_wait3A_93 = arith.constant 1 : i32
    %dma_wait3A_94 = arith.constant 0 : i32
    %dma_wait3A_95 = arith.constant 0 : i32
    %dma_wait3A_96 = tpu.memref_slice %arg8[%dma_wait3A_90, %dma_wait3A_94, %dma_wait3A_95] : memref<3x80x128xf32, #tpu.memory_space<vmem>> -> memref<1x80x128xf32, #tpu.memory_space<vmem>>
    %dma_wait3A_97 = tpu.memref_squeeze %dma_wait3A_96 : memref<1x80x128xf32, #tpu.memory_space<vmem>> -> memref<80x128xf32, #tpu.memory_space<vmem>>
    %dma_wait3A_98 = arith.constant 0 : i32
    %dma_wait3A_99 = tpu.memref_slice %arg7[%dma_wait3A_91, %dma_wait3A_92, %dma_wait3A_98] : memref<2x25x80xi32, #tpu.memory_space<vmem>> -> memref<1x1x80xi32, #tpu.memory_space<vmem>>
    %dma_wait3A_100 = tpu.memref_squeeze %dma_wait3A_99 : memref<1x1x80xi32, #tpu.memory_space<vmem>> -> memref<80xi32, #tpu.memory_space<vmem>>
    %dma_wait3A_101 = arith.constant 0 : i32
    %dma_wait3A_102 = arith.constant 0 : i32
    %dma_wait3A_103 = tpu.memref_slice %arg9[%dma_wait3A_101, %dma_wait3A_102] : memref<10000x128xf32, #tpu.memory_space<vmem_shared>> -> memref<10000x128xf32, #tpu.memory_space<vmem_shared>>
    %dma_wait3A_104 = tpu.memref_slice %arg12[%dma_wait3A_93] : memref<3x!tpu.dma_semaphore, #tpu.memory_space<semaphore_mem>> -> memref<1x!tpu.dma_semaphore, #tpu.memory_space<semaphore_mem>>
    %dma_wait3A_105 = tpu.memref_squeeze %dma_wait3A_104 : memref<1x!tpu.dma_semaphore, #tpu.memory_space<semaphore_mem>> -> memref<!tpu.dma_semaphore, #tpu.memory_space<semaphore_mem>>
    tpu.wait_indirect_dma semaphore(%dma_wait3A_105 : memref<!tpu.dma_semaphore, #tpu.memory_space<semaphore_mem>>) src(%dma_wait3A_97 : memref<80x128xf32, #tpu.memory_space<vmem>>) dst(%dma_wait3A_103 : memref<10000x128xf32, #tpu.memory_space<vmem_shared>>)
    %dma_wait3A_106 = arith.constant 2 : i32
    %dma_wait3A_107 = arith.constant 0 : i32
    %dma_wait3A_108 = arith.constant 0 : i32
    %dma_wait3A_109 = arith.constant 2 : i32
    %dma_wait3A_110 = arith.constant 0 : i32
    %dma_wait3A_111 = arith.constant 0 : i32
    %dma_wait3A_112 = tpu.memref_slice %arg8[%dma_wait3A_106, %dma_wait3A_110, %dma_wait3A_111] : memref<3x80x128xf32, #tpu.memory_space<vmem>> -> memref<1x80x128xf32, #tpu.memory_space<vmem>>
    %dma_wait3A_113 = tpu.memref_squeeze %dma_wait3A_112 : memref<1x80x128xf32, #tpu.memory_space<vmem>> -> memref<80x128xf32, #tpu.memory_space<vmem>>
    %dma_wait3A_114 = arith.constant 0 : i32
    %dma_wait3A_115 = tpu.memref_slice %arg7[%dma_wait3A_107, %dma_wait3A_108, %dma_wait3A_114] : memref<2x25x80xi32, #tpu.memory_space<vmem>> -> memref<1x1x80xi32, #tpu.memory_space<vmem>>
    %dma_wait3A_116 = tpu.memref_squeeze %dma_wait3A_115 : memref<1x1x80xi32, #tpu.memory_space<vmem>> -> memref<80xi32, #tpu.memory_space<vmem>>
    %dma_wait3A_117 = arith.constant 0 : i32
    %dma_wait3A_118 = arith.constant 0 : i32
    %dma_wait3A_119 = tpu.memref_slice %arg9[%dma_wait3A_117, %dma_wait3A_118] : memref<10000x128xf32, #tpu.memory_space<vmem_shared>> -> memref<10000x128xf32, #tpu.memory_space<vmem_shared>>
    %dma_wait3A_120 = tpu.memref_slice %arg12[%dma_wait3A_109] : memref<3x!tpu.dma_semaphore, #tpu.memory_space<semaphore_mem>> -> memref<1x!tpu.dma_semaphore, #tpu.memory_space<semaphore_mem>>
    %dma_wait3A_121 = tpu.memref_squeeze %dma_wait3A_120 : memref<1x!tpu.dma_semaphore, #tpu.memory_space<semaphore_mem>> -> memref<!tpu.dma_semaphore, #tpu.memory_space<semaphore_mem>>
    tpu.wait_indirect_dma semaphore(%dma_wait3A_121 : memref<!tpu.dma_semaphore, #tpu.memory_space<semaphore_mem>>) src(%dma_wait3A_113 : memref<80x128xf32, #tpu.memory_space<vmem>>) dst(%dma_wait3A_119 : memref<10000x128xf32, #tpu.memory_space<vmem_shared>>)
    %barrier3A_122 = arith.constant 0 : index
    tpu.barrier barrier_id(%barrier3A_122)
    %sub3A_123 = arith.constant 125 : i32
    %sub3A_124 = arith.subi %sub3A_123, %arg1 : i32
    %add3A_125 = arith.constant 16 : i32
    %add3A_126 = arith.addi %sub3A_124, %add3A_125 : i32
    %sub3A_127 = arith.constant 1 : i32
    %sub3A_128 = arith.subi %add3A_126, %sub3A_127 : i32
    %jit3A_129 = arith.constant 16 : i32
    %div3A_130 = arith.divsi %sub3A_128, %jit3A_129 : i32
    %sign3A_131 = arith.constant 0 : i32
    %sign3A_132 = arith.cmpi sgt, %sub3A_128, %sign3A_131 : i32
    %sign3A_133 = arith.extui %sign3A_132 : i1 to i32
    %sign3A_134 = arith.constant 0 : i32
    %sign3A_135 = arith.cmpi slt, %sub3A_128, %sign3A_134 : i32
    %sign3A_136 = arith.extui %sign3A_135 : i1 to i32
    %sign3A_137 = arith.subi %sign3A_133, %sign3A_136 : i32
    %sign3A_138 = arith.constant 0 : i32
    %sign3A_139 = arith.cmpi sgt, %jit3A_129, %sign3A_138 : i32
    %sign3A_140 = arith.extui %sign3A_139 : i1 to i32
    %sign3A_141 = arith.constant 0 : i32
    %sign3A_142 = arith.cmpi slt, %jit3A_129, %sign3A_141 : i32
    %sign3A_143 = arith.extui %sign3A_142 : i1 to i32
    %sign3A_144 = arith.subi %sign3A_140, %sign3A_143 : i32
    %ne3A_145 = arith.cmpi ne, %sign3A_137, %sign3A_144 : i32
    %rem3A_146 = arith.remsi %sub3A_128, %jit3A_129 : i32
    %ne3A_147 = arith.constant 0 : i32
    %ne3A_148 = arith.cmpi ne, %rem3A_146, %ne3A_147 : i32
    %and3A_149 = arith.andi %ne3A_145, %ne3A_148 : i1
    %sub3A_150 = arith.constant 1 : i32
    %sub3A_151 = arith.subi %div3A_130, %sub3A_150 : i32
    %select_n3A_152 = arith.select %and3A_149, %sub3A_151, %div3A_130 : i32
    %while3A_153 = arith.constant 0 : i32
    %while3A_154 = arith.constant 0 : i32
    %while3A_155 = arith.subi %select_n3A_152, %while3A_154 : i32
    %while3A_156 = arith.addi %while3A_154, %while3A_155 : i32
    %while3A_157 = arith.constant 1 : i32
    %while3A_158 = arith.divsi %while3A_155, %while3A_157 : i32
    %while3A_159 = arith.muli %while3A_158, %while3A_157 : i32
    %while3A_160 = arith.addi %while3A_154, %while3A_159 : i32
    %while3A_161 = arith.constant 1 : i32
    scf.for %while3A_163 = %while3A_154 to %while3A_160 step %while3A_161  : i32 {
      %mul3A = arith.constant 16 : i32
      %mul3A_164 = arith.muli %while3A_163, %mul3A : i32
      %add3A_165 = arith.addi %arg1, %mul3A_164 : i32
      %mul3A_166 = arith.constant 80 : i32
      %mul3A_167 = arith.muli %add3A_165, %mul3A_166 : i32
      %mul3A_168 = arith.constant 80 : i32
      %mul3A_169 = arith.muli %add3A_165, %mul3A_168 : i32
      "tpu.region"() ({
        %run_scoped3A_170 = tpu.sem_alloc : memref<!tpu.dma_semaphore, #tpu.memory_space<semaphore_mem>>
        %dma_start3A_171 = arith.constant 0 : i32
        %dma_start3A_172 = tpu.memref_slice %arg5[%arg0, %mul3A_169, %dma_start3A_171] : memref<2x10000x128xf32, #tpu.memory_space<hbm>> -> memref<1x80x128xf32, #tpu.memory_space<hbm>>
        %dma_start3A_173 = tpu.memref_squeeze %dma_start3A_172 : memref<1x80x128xf32, #tpu.memory_space<hbm>> -> memref<80x128xf32, #tpu.memory_space<hbm>>
        %dma_start3A_174 = arith.constant 0 : i32
        %dma_start3A_175 = tpu.memref_slice %arg9[%mul3A_167, %dma_start3A_174] : memref<10000x128xf32, #tpu.memory_space<vmem_shared>> -> memref<80x128xf32, #tpu.memory_space<vmem_shared>>
        tpu.enqueue_dma source(%dma_start3A_175 : memref<80x128xf32, #tpu.memory_space<vmem_shared>>) target(%dma_start3A_173 : memref<80x128xf32, #tpu.memory_space<hbm>>) target_semaphore(%run_scoped3A_170 : memref<!tpu.dma_semaphore, #tpu.memory_space<semaphore_mem>>)
        %dma_wait3A_176 = arith.constant 0 : i32
        %dma_wait3A_177 = tpu.memref_slice %arg5[%arg0, %mul3A_169, %dma_wait3A_176] : memref<2x10000x128xf32, #tpu.memory_space<hbm>> -> memref<1x80x128xf32, #tpu.memory_space<hbm>>
        %dma_wait3A_178 = tpu.memref_squeeze %dma_wait3A_177 : memref<1x80x128xf32, #tpu.memory_space<hbm>> -> memref<80x128xf32, #tpu.memory_space<hbm>>
        %dma_wait3A_179 = arith.constant 0 : i32
        %dma_wait3A_180 = tpu.memref_slice %arg9[%mul3A_167, %dma_wait3A_179] : memref<10000x128xf32, #tpu.memory_space<vmem_shared>> -> memref<80x128xf32, #tpu.memory_space<vmem_shared>>
        tpu.wait_dma2 semaphore(%run_scoped3A_170 : memref<!tpu.dma_semaphore, #tpu.memory_space<semaphore_mem>>) src(%dma_wait3A_180 : memref<80x128xf32, #tpu.memory_space<vmem_shared>>) dst(%dma_wait3A_178 : memref<80x128xf32, #tpu.memory_space<hbm>>)
        tpu.yield
      }) : () -> ()
    }
    %while3A_162 = arith.constant 1 : i32
    scf.for %while3A_163 = %while3A_160 to %while3A_156 step %while3A_162  : i32 {
      %mul3A = arith.constant 16 : i32
      %mul3A_164 = arith.muli %while3A_163, %mul3A : i32
      %add3A_165 = arith.addi %arg1, %mul3A_164 : i32
      %mul3A_166 = arith.constant 80 : i32
      %mul3A_167 = arith.muli %add3A_165, %mul3A_166 : i32
      %mul3A_168 = arith.constant 80 : i32
      %mul3A_169 = arith.muli %add3A_165, %mul3A_168 : i32
      "tpu.region"() ({
        %run_scoped3A_170 = tpu.sem_alloc : memref<!tpu.dma_semaphore, #tpu.memory_space<semaphore_mem>>
        %dma_start3A_171 = arith.constant 0 : i32
        %dma_start3A_172 = tpu.memref_slice %arg5[%arg0, %mul3A_169, %dma_start3A_171] : memref<2x10000x128xf32, #tpu.memory_space<hbm>> -> memref<1x80x128xf32, #tpu.memory_space<hbm>>
        %dma_start3A_173 = tpu.memref_squeeze %dma_start3A_172 : memref<1x80x128xf32, #tpu.memory_space<hbm>> -> memref<80x128xf32, #tpu.memory_space<hbm>>
        %dma_start3A_174 = arith.constant 0 : i32
        %dma_start3A_175 = tpu.memref_slice %arg9[%mul3A_167, %dma_start3A_174] : memref<10000x128xf32, #tpu.memory_space<vmem_shared>> -> memref<80x128xf32, #tpu.memory_space<vmem_shared>>
        tpu.enqueue_dma source(%dma_start3A_175 : memref<80x128xf32, #tpu.memory_space<vmem_shared>>) target(%dma_start3A_173 : memref<80x128xf32, #tpu.memory_space<hbm>>) target_semaphore(%run_scoped3A_170 : memref<!tpu.dma_semaphore, #tpu.memory_space<semaphore_mem>>)
        %dma_wait3A_176 = arith.constant 0 : i32
        %dma_wait3A_177 = tpu.memref_slice %arg5[%arg0, %mul3A_169, %dma_wait3A_176] : memref<2x10000x128xf32, #tpu.memory_space<hbm>> -> memref<1x80x128xf32, #tpu.memory_space<hbm>>
        %dma_wait3A_178 = tpu.memref_squeeze %dma_wait3A_177 : memref<1x80x128xf32, #tpu.memory_space<hbm>> -> memref<80x128xf32, #tpu.memory_space<hbm>>
        %dma_wait3A_179 = arith.constant 0 : i32
        %dma_wait3A_180 = tpu.memref_slice %arg9[%mul3A_167, %dma_wait3A_179] : memref<10000x128xf32, #tpu.memory_space<vmem_shared>> -> memref<80x128xf32, #tpu.memory_space<vmem_shared>>
        tpu.wait_dma2 semaphore(%run_scoped3A_170 : memref<!tpu.dma_semaphore, #tpu.memory_space<semaphore_mem>>) src(%dma_wait3A_180 : memref<80x128xf32, #tpu.memory_space<vmem_shared>>) dst(%dma_wait3A_178 : memref<80x128xf32, #tpu.memory_space<hbm>>)
        tpu.yield
      }) : () -> ()
    }
    return
  }
}

module attributes {stable_mosaic.version = 14 : i64} {
  func.func @_mlp_body(%arg0: i32, %arg1: memref<1000x128xf32, #tpu.memory_space<vmem>>, %arg2: memref<1x1000x128xf32, #tpu.memory_space<vmem>>, %arg3: memref<1x1000x128xf32, #tpu.memory_space<vmem>>, %arg4: memref<128x128xf32, #tpu.memory_space<vmem>>, %arg5: memref<1x128xf32, #tpu.memory_space<vmem>>, %arg6: memref<128x128xf32, #tpu.memory_space<vmem>>, %arg7: memref<1x128xf32, #tpu.memory_space<vmem>>, %arg8: memref<1000x128xf32, #tpu.memory_space<vmem>>) attributes {dimension_semantics = [#tpu.dimension_semantics<arbitrary>], iteration_bounds = array<i64: 10>, scalar_prefetch = 0 : i64, scratch_operands = 0 : i64, tpu.core_type = #tpu.core_type<tc>, window_params = [{transform_indices = @transform_0, window_bounds = array<i64: 1000, 128>}, {transform_indices = @transform_1, window_bounds = array<i64: 1, 1000, 128>}, {transform_indices = @transform_2, window_bounds = array<i64: 1, 1000, 128>}, {pipeline_mode = #tpu.pipeline_mode<synchronous>, transform_indices = @transform_3, window_bounds = array<i64: 128, 128>}, {pipeline_mode = #tpu.pipeline_mode<synchronous>, transform_indices = @transform_4, window_bounds = array<i64: 1, 128>}, {pipeline_mode = #tpu.pipeline_mode<synchronous>, transform_indices = @transform_5, window_bounds = array<i64: 128, 128>}, {pipeline_mode = #tpu.pipeline_mode<synchronous>, transform_indices = @transform_6, window_bounds = array<i64: 1, 128>}, {transform_indices = @transform_7, window_bounds = array<i64: 1000, 128>}]} {
    %get3A = arith.constant 0 : index
    %get3A_0 = arith.constant 0 : index
    %get3A_1 = vector.load %arg1[%get3A, %get3A_0] : memref<1000x128xf32, #tpu.memory_space<vmem>>, vector<1000x128xf32>
    %get3A_2 = arith.constant 0 : index
    %get3A_3 = arith.constant 0 : index
    %get3A_4 = arith.constant 0 : index
    %get3A_5 = vector.load %arg2[%get3A_2, %get3A_3, %get3A_4] : memref<1x1000x128xf32, #tpu.memory_space<vmem>>, vector<1x1000x128xf32>
    %get3A_6 = vector.shape_cast %get3A_5 : vector<1x1000x128xf32> to vector<1000x128xf32>
    %add3A = arith.addf %get3A_1, %get3A_6 : vector<1000x128xf32>
    %get3A_7 = arith.constant 0 : index
    %get3A_8 = arith.constant 0 : index
    %get3A_9 = arith.constant 0 : index
    %get3A_10 = vector.load %arg3[%get3A_7, %get3A_8, %get3A_9] : memref<1x1000x128xf32, #tpu.memory_space<vmem>>, vector<1x1000x128xf32>
    %get3A_11 = vector.shape_cast %get3A_10 : vector<1x1000x128xf32> to vector<1000x128xf32>
    %add3A_12 = arith.addf %add3A, %get3A_11 : vector<1000x128xf32>
    %get3A_13 = arith.constant 0 : index
    %get3A_14 = arith.constant 0 : index
    %get3A_15 = vector.load %arg4[%get3A_13, %get3A_14] : memref<128x128xf32, #tpu.memory_space<vmem>>, vector<128x128xf32>
    %dot_general3A = arith.constant dense<0.000000e+00> : vector<1000x128xf32>
    %dot_general3A_16 = tpu.matmul %add3A_12, %get3A_15, %dot_general3A {dimension_numbers = #tpu.dot_dimension_numbers<[1], [0], [0], [1], [0, 0, 1, 1], [], []>, transpose_lhs_hint = false} : vector<1000x128xf32>, vector<128x128xf32>, vector<1000x128xf32> -> vector<1000x128xf32>
    %get3A_17 = arith.constant 0 : index
    %get3A_18 = arith.constant 0 : index
    %get3A_19 = vector.load %arg5[%get3A_17, %get3A_18] : memref<1x128xf32, #tpu.memory_space<vmem>>, vector<1x128xf32>
    %add3A_20 = vector.broadcast %get3A_19 : vector<1x128xf32> to vector<1000x128xf32>
    %add3A_21 = arith.addf %dot_general3A_16, %add3A_20 : vector<1000x128xf32>
    %max3A = arith.constant 0.000000e+00 : f32
    %max3A_22 = vector.broadcast %max3A : f32 to vector<1000x128xf32>
    %max3A_23 = arith.maximumf %add3A_21, %max3A_22 : vector<1000x128xf32>
    %get3A_24 = arith.constant 0 : index
    %get3A_25 = arith.constant 0 : index
    %get3A_26 = vector.load %arg6[%get3A_24, %get3A_25] : memref<128x128xf32, #tpu.memory_space<vmem>>, vector<128x128xf32>
    %dot_general3A_27 = arith.constant dense<0.000000e+00> : vector<1000x128xf32>
    %dot_general3A_28 = tpu.matmul %max3A_23, %get3A_26, %dot_general3A_27 {dimension_numbers = #tpu.dot_dimension_numbers<[1], [0], [0], [1], [0, 0, 1, 1], [], []>, transpose_lhs_hint = false} : vector<1000x128xf32>, vector<128x128xf32>, vector<1000x128xf32> -> vector<1000x128xf32>
    %get3A_29 = arith.constant 0 : index
    %get3A_30 = arith.constant 0 : index
    %get3A_31 = vector.load %arg7[%get3A_29, %get3A_30] : memref<1x128xf32, #tpu.memory_space<vmem>>, vector<1x128xf32>
    %add3A_32 = vector.broadcast %get3A_31 : vector<1x128xf32> to vector<1000x128xf32>
    %add3A_33 = arith.addf %dot_general3A_28, %add3A_32 : vector<1000x128xf32>
    %swap3A = arith.constant 0 : index
    %swap3A_34 = arith.constant 0 : index
    %swap3A_35 = vector.load %arg8[%swap3A, %swap3A_34] : memref<1000x128xf32, #tpu.memory_space<vmem>>, vector<1000x128xf32>
    tpu.vector_store %arg8[%swap3A, %swap3A_34], %add3A_33 {strides = array<i32>} : memref<1000x128xf32, #tpu.memory_space<vmem>>, vector<1000x128xf32>,
    return
  }
  func.func @transform_0(%arg0: i32) -> (i32, i32) {
    %c0_i32 = arith.constant 0 : i32
    %c0_i32_0 = arith.constant 0 : i32
    return %arg0, %c0_i32 : i32, i32
  }
  func.func @transform_1(%arg0: i32) -> (i32, i32, i32) {
    %c0_i32 = arith.constant 0 : i32
    %c0_i32_0 = arith.constant 0 : i32
    %c0_i32_1 = arith.constant 0 : i32
    return %c0_i32, %arg0, %c0_i32_0 : i32, i32, i32
  }
  func.func @transform_2(%arg0: i32) -> (i32, i32, i32) {
    %c1_i32 = arith.constant 1 : i32
    %c0_i32 = arith.constant 0 : i32
    %c0_i32_0 = arith.constant 0 : i32
    return %c1_i32, %arg0, %c0_i32 : i32, i32, i32
  }
  func.func @transform_3(%arg0: i32) -> (i32, i32) {
    %c0_i32 = arith.constant 0 : i32
    %c0_i32_0 = arith.constant 0 : i32
    %c0_i32_1 = arith.constant 0 : i32
    return %c0_i32, %c0_i32_0 : i32, i32
  }
  func.func @transform_4(%arg0: i32) -> (i32, i32) {
    %c0_i32 = arith.constant 0 : i32
    %c0_i32_0 = arith.constant 0 : i32
    %c0_i32_1 = arith.constant 0 : i32
    return %c0_i32, %c0_i32_0 : i32, i32
  }
  func.func @transform_5(%arg0: i32) -> (i32, i32) {
    %c0_i32 = arith.constant 0 : i32
    %c0_i32_0 = arith.constant 0 : i32
    %c0_i32_1 = arith.constant 0 : i32
    return %c0_i32, %c0_i32_0 : i32, i32
  }
  func.func @transform_6(%arg0: i32) -> (i32, i32) {
    %c0_i32 = arith.constant 0 : i32
    %c0_i32_0 = arith.constant 0 : i32
    %c0_i32_1 = arith.constant 0 : i32
    return %c0_i32, %c0_i32_0 : i32, i32
  }
  func.func @transform_7(%arg0: i32) -> (i32, i32) {
    %c0_i32 = arith.constant 0 : i32
    %c0_i32_0 = arith.constant 0 : i32
    return %arg0, %c0_i32 : i32, i32
  }
}

</mosaic_0001>

<sc_bundles>
// kernel: kernel.4.cloned.1.call-start
scs
__scs_entry_jumppad:
0x0: {  	(pc) =	sbr.rel $0x88, $3  }
0x1: {  	(tag) =	ssettag $0x0;
	lr =	simm.s32 $0x1  }
0x2: {  	[smem:$0x3F9B] =	sst lr;
	_ =	strace $0xD0000000  }
0x3: {  	_ = 	snop  }
0x4: {  	_ = 	snop  }
0x5: {  	_ = 	snop  }
0x6: {  	_ = 	snop  }
0x7: {  	_ = 	snop  }
__scs_overlays_trampoline_lowered:
0x8: {  	[smem:$0x3FAA] =	sst s0  }
0x9: {  	[smem:$0x3FAB] =	sst s1  }
0xa: {  	[smem:$0x3FAC] =	sst s2  }
0xb: {  	[smem:$0x3FAD] =	sst s3  }
0xc: {  	[smem:$0x3FAE] =	sst s4  }
0xd: {  	[smem:$0x3FAF] =	sst s5  }
0xe: {  	[smem:$0x3FB0] =	sst s6  }
0xf: {  	[smem:$0x3FB1] =	sst s7  }
0x10: {  	[smem:$0x3FB2] =	sst s8  }
0x11: {  	[smem:$0x3FB3] =	sst s9;
	s0 =	simm.s32 @!p0 $0x0  }
0x12: {  	s1 =	sld [smem:$0x3F99];
	s0 =	simm.s32 @p0 $0x1  }
0x13: {  	[smem:$0x3FB4] =	sst s0;
	s0 =	simm.s32 @!p1 $0x0  }
0x14: {  	s2 =	sld [smem:$0x3F98];
	s0 =	simm.s32 @p1 $0x1  }
0x15: {  	[smem:$0x3FB5] =	sst s0;
	s0 =	simm.s32 @!p2 $0x0  }
0x16: {  	s3 =	sld [smem:$0x3FDB];
	s0 =	simm.s32 @p2 $0x1  }
0x17: {  	s4 =	simm.s32 $0x1BF5;
	[smem:$0x3FB7] =	sst s0  }
0x18: {  	s0 =	sld [smem:$0x3F9A];
	_ =	swait.ge [sflag:s4], $0x0  }
0x19: {  	s7 =	sld [smem:$0x3F9B]  }
0x1a: {  	s8 =	sadd.s32 $0xFFFFE003, lr  }
0x1b: {  	s9 =	sadd.s32 $0xFFFFFEF7, lr;
	s5 =	simm.s32 $0xFFFFFFFF;
	p2 =	slt.u32 s8, $0xFFFFF086  }
0x1c: {  	p1 =	slt.u32 s9, $0xF7A;
	s5 =	simm.s32 @!p2 $0x0  }
0x1d: {  	s5 =	simm.s32 @p1 $0x1;
	p0 =	seq.s32 s7, s2  }
0x1e: {  	s7 =	smul.u32 @!p0 $0xF7A, s2;
	p2 =	seq.s32 @!p0 s5, $0x0  }
0x1f: {  	s9 =	smul.u32 $0xF7A, s1;
	s8 =	simm.s32 @!p0 $0x1BF5;
	p2 =	por !p2, p0  }
0x20: {  	[sflag:s8] =	ssyncset.s32 @!p0 $0xFFFFF086;
	s6 =	sadd.s32 @!p0 s3, s7;
	s7 =	simm.s32 @!p0 $0x108  }
0x21: {  	s3 =	sadd.s32 s3, s9;
	s6 =	sadd.s32 @!p0 $0x88, s6;
	s7 =	simm.s32 @p2 $0x1082  }
0x22: {  	[simem:s7], [sflag:s8] =	dma.local @!p0 [hbm:s6], $0xF7A  }
0x23: {  	s9 =	sor.u32 $0xD0000000, s2;
	s6 =	simm.s32 $0x108;
	_ =	swait.ge @!p0 [sflag:s8], $0x0  }
0x24: {  	s3 =	sadd.s32 $0x88, s3;
	s6 =	simm.s32 @!p1 $0x1082;
	[sflag:s4] =	ssyncset.s32 $0xFFFFF086  }
0x25: {  	[simem:s6], [sflag:s4] =	dma.local [hbm:s3], $0xF7A  }
0x26: {  	[smem:$0x3F9B] =	sst s1;
	(tag) =	ssettag s2;
	_ =	strace s9  }
0x27: {  	s1 =	sld [smem:$0x3FAB]  }
0x28: {  	s2 =	sld [smem:$0x3FAC]  }
0x29: {  	s4 =	sld [smem:$0x3FAE]  }
0x2a: {  	p0 =	seq.s32 s5, $0x0;
	s5 =	sld [smem:$0x3FAF]  }
0x2b: {  	s6 =	sld [smem:$0x3FB0]  }
0x2c: {  	s7 =	sld [smem:$0x3FB1]  }
0x2d: {  	s3 =	simm.s32 $0x108;
	s8 =	sld [smem:$0x3FB2]  }
0x2e: {  	s3 =	simm.s32 @!p0 $0x1082;
	s9 =	sld [smem:$0x3FB3]  }
0x2f: {  	lr =	sadd.s32 s0, s3;
	s0 =	sld [smem:$0x3FAA]  }
0x30: {  	s3 =	sld [smem:$0x3FAD]  }
0x31: {  	[smem:$0x3FB6] =	sst s10  }
0x32: {  	s10 =	sld [smem:$0x3FB4];
	_ =	sdelay $0x3  }
0x33: {  	p0 =	seq.s32 s10, $0x1;
	s10 =	sld [smem:$0x3FB6];
	_ =	sdelay $0x3  }
0x34: {  	[smem:$0x3FB6] =	sst s10  }
0x35: {  	s10 =	sld [smem:$0x3FB5];
	_ =	sdelay $0x3  }
0x36: {  	p1 =	seq.s32 s10, $0x1;
	s10 =	sld [smem:$0x3FB6];
	_ =	sdelay $0x3  }
0x37: {  	[smem:$0x3FB6] =	sst s10  }
0x38: {  	s10 =	sld [smem:$0x3FB7]  }
0x39: {  	_ = 	snop;
	(pc) =	sbr.ind lr, $3  }
0x3a: {  	_ = 	snop  }
0x3b: {  	_ = 	snop  }
0x3c: {  	p2 =	seq.s32 s10, $0x1;
	s10 =	sld [smem:$0x3FB6]  }
0x3d: {  	_ =	shalt  }
0x3e: {  	_ =	shalt  }
0x3f: {  	_ =	shalt  }
0x40: {  	_ =	shalt  }
0x41: {  	_ =	shalt  }
0x42: {  	_ =	shalt  }
0x43: {  	_ =	shalt  }
0x44: {  	_ =	shalt  }
0x45: {  	_ =	shalt  }
0x46: {  	_ =	shalt  }
0x47: {  	_ =	shalt  }
0x48: {  	_ =	shalt  }
0x49: {  	_ =	shalt  }
0x4a: {  	_ =	shalt  }
0x4b: {  	_ =	shalt  }
0x4c: {  	_ =	shalt  }
0x4d: {  	_ =	shalt  }
0x4e: {  	_ =	shalt  }
0x4f: {  	_ =	shalt  }
0x50: {  	_ =	shalt  }
0x51: {  	_ =	shalt  }
0x52: {  	_ =	shalt  }
0x53: {  	_ =	shalt  }
0x54: {  	_ =	shalt  }
0x55: {  	_ =	shalt  }
0x56: {  	_ =	shalt  }
0x57: {  	_ =	shalt  }
0x58: {  	_ =	shalt  }
0x59: {  	_ =	shalt  }
0x5a: {  	_ =	shalt  }
0x5b: {  	_ =	shalt  }
0x5c: {  	_ =	shalt  }
0x5d: {  	_ =	shalt  }
0x5e: {  	_ =	shalt  }
0x5f: {  	_ =	shalt  }
0x60: {  	_ =	shalt  }
0x61: {  	_ =	shalt  }
0x62: {  	_ =	shalt  }
0x63: {  	_ =	shalt  }
0x64: {  	_ =	shalt  }
0x65: {  	_ =	shalt  }
0x66: {  	_ =	shalt  }
0x67: {  	_ =	shalt  }
0x68: {  	_ =	shalt  }
0x69: {  	_ =	shalt  }
0x6a: {  	_ =	shalt  }
0x6b: {  	_ =	shalt  }
0x6c: {  	_ =	shalt  }
0x6d: {  	_ =	shalt  }
0x6e: {  	_ =	shalt  }
0x6f: {  	_ =	shalt  }
0x70: {  	_ =	shalt  }
0x71: {  	_ =	shalt  }
0x72: {  	_ =	shalt  }
0x73: {  	_ =	shalt  }
0x74: {  	_ =	shalt  }
0x75: {  	_ =	shalt  }
0x76: {  	_ =	shalt  }
0x77: {  	_ =	shalt  }
0x78: {  	_ =	shalt  }
0x79: {  	_ =	shalt  }
0x7a: {  	_ =	shalt  }
0x7b: {  	_ =	shalt  }
0x7c: {  	_ =	shalt  }
0x7d: {  	_ =	shalt  }
0x7e: {  	_ =	shalt  }
0x7f: {  	_ =	shalt  }
0x80: {  	_ =	shalt  }
0x81: {  	_ =	shalt  }
0x82: {  	_ =	shalt  }
0x83: {  	_ =	shalt  }
0x84: {  	_ =	shalt  }
0x85: {  	_ =	shalt  }
0x86: {  	_ =	shalt  }
0x87: {  	_ =	shalt  }
.Lfunc_end0:
.L_simem_size_0:
called_computation_lowered:
.L_overlay_start_0:
0x88: {  	s2 =	sld [smem:$0x3FD9]  }
0x89: {  	s3 =	sld [smem:$0x3FFE];
	_ =	sdelay $0x1  }
0x8a: {  	s1 =	srdreg.scid  }
0x8b: {  	s0 =	sand.u32 $0x1, s1  }
0x8c: {  	s17 =	sshll.u32 s0, $0xA;
	s2 =	sadd.s32 s3, s2  }
0x8d: {  	s2 =	sadd.s32 s2, s17  }
0x8e: {  	[smem:$0x3FC2] =	sst s2  }
0x8f: {  	_ = 	snop  }
0x90: {  	s2 =	sld [smem:$0x3FC9]  }
0x91: {  	s18 =	sld [smem:$0x3FD0];
	(tm) =	ssettm $0x1  }
0x92: {  	s4 =	sld [smem:$0x3FFB];
	_ =	sdelay $0x3  }
0x93: {  	_ =	strace s4  }
0x94: {  	s4 =	sld [smem:$0x3FFC];
	_ =	sdelay $0x3  }
0x95: {  	_ =	strace s4  }
0x96: {  	s4 =	sld [smem:$0x3FFD];
	_ =	sdelay $0x3  }
0x97: {  	_ =	strace s4  }
0x98: {  	_ =	strace $0x8FFFFFFF  }
0x99: {  	s19 =	sld [smem:$0x3FDB];
	_ =	sdelay $0x1  }
0x9a: {  	s5 =	simm.s32 $_scs_section_size  }
0x9b: {  	s6 =	simm.s32 $_size__tile_overlayer_lowered;
	s7 =	simm.s32 $_tile_overlayer_lowered  }
0x9c: {  	s22 =	simm.s32 $0x1BFF;
	s21 =	sshll.u32 s7, $0x1;
	s4 =	sadd.s32 s5, s19  }
0x9d: {  	s8 =	simm.s32 $0x0;
	s20 =	sshll.u32 s6, $0x1;
	s6 =	sadd.s32 s21, s4  }
0x9e: {  	[timem:s8], [sflag:s22] =	dma.local [hbm:s6], s20  }
0x9f: {  	_ =	swait.ge [sflag:s22], s20  }
0xa0: {  	s5 =	ssub.s32 $0x0, s20;
	[sflag:s22] =	ssyncset.done $0x0  }
0xa1: {  	[sflag:s22] =	ssyncadd.s32 s5;
	_ =	sdelay $0x1  }
0xa2: {  	s23 =	simm.s32 $0x1B8B  }
0xa3: {  	_ =	swait.ge [sflag:s23], $0x1  }
0xa4: {  	[sflag:s23] =	ssyncset.done $0x0  }
0xa5: {  	s25 =	simm.s32 $0x1B8E;
	s24 =	sld [smem:$0x3FFE];
	[sflag:s23] =	ssyncadd.s32 $0xFFFFFFFF  }
0xa6: {  	s26 =	simm.s32 $execute0_lowered;
	[smem:$0x3FD2] =	sst s25  }
0xa7: {  	s6 =	sshll.u32 s26, $0x1;
	_ =	strace $0x80000046;
	[dreg:$0x1] =	wrdreg $0xFFFFFFFF  }
0xa8: {  	s28 =	simm.s32 $_size_execute0_lowered;
	s4 =	sadd.s32 s4, s6;
	[dreg:$0x0] =	wrdreg $0x0  }
0xa9: {  	s6 =	sshll.u32 s28, $0x1;
	[dreg:$0x2] =	wrdreg s4  }
0xaa: {  	[dreg:$0x3] =	wrdreg s6  }
0xab: {  	[dreg:$0x4] =	wrdreg $0xC0  }
0xac: {  	_ =	task [dreg:s8], $0x5FFFF  }
0xad: {  	[dreg:$0x1] =	wrdreg $0xFFFFFFFF  }
0xae: {  	[dreg:$0x0] =	wrdreg $0x60  }
0xaf: {  	[dreg:$0x2] =	wrdreg s2  }
0xb0: {  	[dreg:$0x3] =	wrdreg s18  }
0xb1: {  	[dreg:$0x4] =	wrdreg s24  }
0xb2: {  	[dreg:$0x5] =	wrdreg $0xB8000  }
0xb3: {  	[dreg:$0x6] =	wrdreg $0x9  }
0xb4: {  	_ =	task.clear_ibuf [dreg:s8], $0x7FFFF;
	_ =	strace $0x90000046  }
0xb5: {  	s29 =	simm.s32 $0x9;
	_ =	strace $0x80000048  }
0xb6: {  	_ =	swait.ge [sflag:s29], $0x1  }
0xb7: {  	[sflag:s29] =	ssyncadd.s32 $0xFFFFFFFF  }
0xb8: {  	_ =	strace $0x90000048  }
0xb9: {  	_ =	sfence  }
0xba: {  	s30 =	sld [smem:$0x0];
	_ =	sdelay $0x2  }
0xbb: {  	s31 =	sshll.u32 s1, $0xD;
	s1 =	sshrl.u32 s1, $0x2  }
0xbc: {  	s3 =	sand.u32 $0x4000, s31;
	s1 =	sadd.s32 s1, s30  }
0xbd: {  	s0 =	sor.u32 s3, s0;
	s1 =	sshll.u32 s1, $0x11  }
0xbe: {  	s0 =	sor.u32 s1, s0  }
0xbf: {  	s0 =	sadd.s32 $0x8F2B, s0  }
0xc0: {  	[sflag:s0] =	ssyncadd.remote.s32 $0x1  }
0xc1: {  	_ =	sfence.sel $0xFFFF  }
0xc2: {  	[dreg:$0x0] =	wrdreg $0xFFFFFFFF;
	(pc) =	sbr.abs _section_cstart, $3  }
0xc3: {  	[dreg:$0x1] =	wrdreg $0xFFFFFFFF  }
0xc4: {  	_ =	task.clear_ibuf [dreg:s8], $0x2FFFF;
	_ =	strace $0x9FFFFFFF  }
0xc5: {  	(tm) =	ssettm $0x7FFFFFFF  }
tec
execute0_lowered:
.L_overlay_start_1:
0x0: {  	(tag) =	ssettag $0x1  }
0x1: {  	s1 =	rddreg [dreg:$0x0]  }
0x2: {  	s2 =	rddreg [dreg:$0x1]  }
0x3: {  	s0 =	rddreg [dreg:$0x2]  }
0x4: {  	s3 =	rddreg [dreg:$0x3];
	s4 =	srdreg.scid;
	s5 =	simm.s32 $0x0  }
0x5: {  	s14 =	simm.s32 $0x9;
	s16 =	simm.s32 $0x50;
	s20 =	simm.s32 $0x9000  }
0x6: {  	s21 =	simm.s32 $0x4;
	s22 =	simm.s32 $0x5;
	s6 =	sand.u32 $0x1, s4  }
0x7: {  	s23 =	simm.s32 $0x6;
	s4 =	stileid.u32;
	s7 =	smul.u32 $0x138800, s6  }
0x8: {  	s24 =	simm.s32 $0x7;
	s25 =	simm.s32 $0x8;
	s8 =	smul.u32 $0x2800, s4  }
0x9: {  	s26 =	simm.s32 $0x0;
	[smem:$0x7FF] =	sst s5;
	s9 =	smul.u32 $0x50000, s6  }
0xa: {  	_ =	strace $0x80000047;
	s29 =	ssub.s32 $0x2, s6;
	s10 =	smul.u32 $0x5000, s4  }
0xb: {  	s6 =	sadd.s32 $0xE00, s0;
	s12 =	smul.u32 $0xA000, s4;
	s11 =	sshrl.u32 s29, $0x1  }
0xc: {  	s31 =	ssub.s32 $0x8C, s4;
	s7 =	sadd.s32 s8, s7;
	s11 =	ssub.s32 s29, s11  }
0xd: {  	s10 =	sadd.s32 s10, s9;
	s9 =	sshrl.u32 s31, $0x4;
	s12 =	sshrl.u32 s12, $0x2  }
0xe: {  	s7 =	sshrl.u32 s7, $0x3;
	s30 =	sshrl.u32 s10, $0x3;
	s10 =	sadd.s32 $0x1000, s10  }
0xf: {  	s11 =	smax.u32 s11, $0x1;
	s12 =	sadd.s32 s12, s3;
	s0 =	sadd.s32 s7, s0  }
0x10: {  	v0 =	vimm.f32 $0.0e+00;
	s7 =	sadd.s32 s2, s30;
	s8 =	sadd.s32 s6, s30;
	s13 =	sadd.s32 $0x14E00, s0  }
.LBB2_1:
0x11: {  	[tilespmem:s5], [sflag:$0x9] =	stream.linear.gather [hbm4b:s7+s5], $0xC80, $0x38;
	[tilespmem:$0x1F080] =	vst v63  }
0x12: {  	_ =	swait.ge [sflag:s14], $0xC80  }
0x13: {  	[sflag:s14] =	ssyncset.done $0x0  }
0x14: {  	s0 =	simm.s32 $0x2000;
	[sflag:s14] =	ssyncadd.s32 $0xFFFFF380  }
0x15: {  	[tilespmem:s0], [sflag:$0x9] =	stream.linear.gather [hbm4b:s8+s5], $0xC80, $0x38;
	[tilespmem:$0x1F080] =	vst v63  }
0x16: {  	_ =	swait.ge [sflag:s14], $0xC80  }
0x17: {  	[sflag:s14] =	ssyncset.done $0x0  }
0x18: {  	s30 =	simm.s32 $0x4000;
	s31 =	simm.s32 $0x80;
	[sflag:s14] =	ssyncadd.s32 $0xFFFFF380  }
0x19: {  	[tilespmem:s30], [sflag:$0x1] =	stream.indirect.gather [hbm4b:s1+s16], $0x80, s5, s16, $0xb8;
	[tilespmem:$0x1F080] =	vst v63  }
0x1a: {  	s15 =	simm.s32 $0x6800;
	s28 =	simm.s32 $0x0;
	s29 =	simm.s32 $0x200  }
0x1b: {  	[tilespmem:s15], [sflag:$0x2] =	stream.indirect.gather [hbm4b:s1+s16], $0x80, s31, s16, $0xb8;
	[tilespmem:$0x1F080] =	vst v63  }
.LBB2_2:
0x1c: {  	p0 =	sne.s32 s29, $0x9E00;
	[tilespmem:s28+$0x9070] =	vst v0  }
0x1d: {  	[tilespmem:s28+$0x9000] =	vst v0  }
0x1e: {  	[tilespmem:s28+$0x9010] =	vst v0  }
.Ltmp0:
0x1f: {  	[tilespmem:s28+$0x9020] =	vst v0;
	(pc) =	sbr.rel @p0 .LBB2_2-.Ltmp0, $4  }
0x20: {  	[tilespmem:s28+$0x9030] =	vst v0  }
0x21: {  	[tilespmem:s28+$0x9040] =	vst v0  }
0x22: {  	[tilespmem:s28+$0x9050] =	vst v0  }
0x23: {  	[tilespmem:s28+$0x9060] =	vst v0;
	s28 =	sshra.s32 s29, $0x2;
	s29 =	sadd.s32 $0x200, s29  }
0x24: {  	[tilespmem:s28+$0x9070] =	vst v0  }
0x25: {  	[tilespmem:s28+$0x9000] =	vst v0  }
0x26: {  	[tilespmem:s28+$0x9010] =	vst v0  }
0x27: {  	[tilespmem:s28+$0x9020] =	vst v0  }
0x28: {  	[tilespmem:s28+$0x9030] =	vst v0  }
0x29: {  	[tilespmem:s28+$0x9040] =	vst v0;
	p0 =	sne.s32 s9, $0x1  }
.Ltmp1:
0x2a: {  	[tilespmem:s28+$0x9050] =	vst v0;
	(pc) =	sbr.rel @!p0 .LBB2_5-.Ltmp1, $4  }
0x2b: {  	[tilespmem:s28+$0x9060] =	vst v0  }
0x2c: {  	[spmem:s12] =	stream.linear.scatter [tilespmem:s20], [sflag:$0x9], $0x2800, $0x38;
	[tilespmem:$0x1F080] =	vst v63  }
0x2d: {  	_ =	swait.ge [sflag:s14], $0x2800  }
0x2e: {  	s28 =	sadd.s32 $0xFFFFFFFF, s9;
	s29 =	smov.u32 s12;
	[sflag:s14] =	ssyncset.done $0x0  }
.LBB2_4:
0x2f: {  	p1 =	sne.s32 s28, $0x1;
	[sflag:s14] =	ssyncadd.s32 $0xFFFFD800;
	s29 =	sadd.s32 $0x28000, s29  }
.Ltmp2:
0x30: {  	s28 =	sadd.s32 $0xFFFFFFFF, s28;
	(pc) =	sbr.rel @p1 .LBB2_4-.Ltmp2, $4  }
0x31: {  	_ = 	snop  }
0x32: {  	[spmem:s29] =	stream.linear.scatter [tilespmem:s20], [sflag:$0x9], $0x2800, $0x38;
	[tilespmem:$0x1F080] =	vst v63  }
0x33: {  	_ =	swait.ge [sflag:s14], $0x2800  }
0x34: {  	[sflag:s14] =	ssyncset.done $0x0  }
.LBB2_5:
.Ltmp3:
0x35: {  	(pc) =	sbr.rel .LBB2_6-.Ltmp3, $4  }
0x36: {  	_ = 	snop  }
0x37: {  	[sflag:s14] =	ssyncadd.s32 $0xFFFFD800  }
0x38: {  	[bflag:$0x0] =	sbarrier.arrive $0xFFFF  }
0x39: {  	s28 =	simm.s32 $0x0  }
.LBB2_7:
0x3a: {  	_ =	swait.ge [sflag:s21], $0xC80  }
0x3b: {  	[sflag:s21] =	ssyncset.done $0x0  }
0x3c: {  	[sflag:s21] =	ssyncadd.s32 $0xFFFFF380  }
0x3d: {  	_ =	swait.ge [sflag:s22], $0xC80  }
0x3e: {  	[sflag:s22] =	ssyncset.done $0x0  }
0x3f: {  	[sflag:s22] =	ssyncadd.s32 $0xFFFFF380  }
.LBB2_8:
0x40: {  	s0 =	sadd.s32 $0xFFFFFFFF, s28  }
0x41: {  	s15 =	sand.u32 $0xFF, s0  }
0x42: {  	s15 =	smul.u32 $0xAB, s15;
	_ =	sdelay $0x1  }
0x43: {  	s15 =	sshrl.u32 s15, $0x9  }
0x44: {  	s15 =	smul.u32 $0x3, s15;
	_ =	sdelay $0x1  }
0x45: {  	s0 =	ssub.s32 s0, s15  }
0x46: {  	s0 =	sand.u32 $0xFF, s0  }
0x47: {  	s0 =	sadd.s32 $0x6, s0  }
0x48: {  	_ =	swait.ge [sflag:s0], $0x2800  }
0x49: {  	[sflag:s0] =	ssyncset.done $0x0  }
0x4a: {  	[sflag:s0] =	ssyncadd.s32 $0xFFFFD800;
	s0 =	sadd.s32 $0x2, s28  }
.LBB2_12:
0x4b: {  	s15 =	sand.u32 $0xFF, s0  }
0x4c: {  	s17 =	smul.u32 $0xAB, s15;
	_ =	sdelay $0x1  }
0x4d: {  	s15 =	smul.u32 $0x29, s15;
	s17 =	sshrl.u32 s17, $0x9  }
0x4e: {  	s17 =	smul.u32 $0x3, s17  }
0x4f: {  	s18 =	sshrl.u32 s15, $0xA  }
0x50: {  	s18 =	smul.u32 $0x19, s18;
	s17 =	ssub.s32 s0, s17  }
0x51: {  	s17 =	sand.u32 $0xFF, s17  }
0x52: {  	s18 =	ssub.s32 s0, s18;
	s19 =	smul.u32 $0xA000, s17  }
0x53: {  	s15 =	sshll.u32 s15, $0x2;
	s0 =	sand.u32 $0xFF, s18  }
0x54: {  	s15 =	sand.u32 $0x1000, s15;
	s0 =	sshll.u32 s0, $0x7;
	s18 =	sshrl.u32 s19, $0x2  }
0x55: {  	s0 =	sor.u32 s0, s15;
	s19 =	sadd.s32 $0x1, s17;
	s18 =	sadd.s32 $0x4000, s18  }
0x56: {  	[tilespmem:s18], [sflag:s19] =	stream.indirect.gather [hbm4b:s1+s16], $0x80, s0, s16, $0xb8;
	[tilespmem:$0x1F080] =	vst v63  }
.LBB2_13:
0x57: {  	s28 =	sadd.s32 $0x1, s28  }
0x58: {  	s15 =	smul.u32 $0xA000, s31;
	p1 =	sne.s32 s28, $0x7D  }
.Ltmp4:
0x59: {  	s0 =	sand.u32 $0xFF, s29;
	(pc) =	sbr.rel @!p1 .LBB2_14-.Ltmp4, $4  }
0x5a: {  	s17 =	sshll.u32 s30, $0xC;
	s0 =	sshll.u32 s0, $0x7  }
0x5b: {  	s15 =	sshrl.u32 s15, $0x2;
	s0 =	sadd.s32 s0, s17  }
0x5c: {  	s31 =	sadd.s32 $0x6, s31;
	s15 =	sadd.s32 $0x4000, s15;
	s0 =	sadd.s32 $0x2000, s0  }
0x5d: {  	[spmem:s3] =	stream.indirect.scatter.add.f32 [tilespmem:s15], [sflag:s31], $0x80, s0, s16, $0xb8;
	[tilespmem:$0x1F080] =	vst v63  }
.LBB2_6:
0x5e: {  	s0 =	smul.u32 $0x29, s28;
	_ =	sdelay $0x1  }
0x5f: {  	s0 =	sshrl.u32 s0, $0xA  }
0x60: {  	s30 =	sand.u32 $0x3F, s0  }
0x61: {  	s29 =	smul.u32 $0x19, s30;
	_ =	sdelay $0x1  }
0x62: {  	s31 =	smul.u32 $0xAB, s28;
	p1 =	sgt.u32 s28, $0x63;
	s29 =	ssub.s32 s28, s29  }
0x63: {  	s15 =	sand.u32 @!p1 $0xFF, s29  }
0x64: {  	s31 =	sshrl.u32 s31, $0x9;
	p2 =	sne.s32 @!p1 s15, $0x0  }
0x65: {  	s31 =	sand.u32 $0x7F, s31;
	p2 =	por p2, p1  }
0x66: {  	s31 =	smul.u32 $0x3, s31;
	s17 =	sshll.u32 @!p2 s30, $0xC  }
0x67: {  	s30 =	sand.u32 $0x1, s0;
	s0 =	sadd.s32 @!p2 s17, s10  }
0x68: {  	s17 =	ssub.s32 s28, s31;
	s31 =	sshll.u32 @!p2 s30, $0xC;
	s0 =	sshrl.u32 @!p2 s0, $0x3  }
0x69: {  	s19 =	simm.s32 @!p2 $0x0;
	s18 =	sxor.u32 @!p2 $0x1000, s31;
	s31 =	sadd.s32 @!p2 s2, s0  }
0x6a: {  	[tilespmem:s18], [sflag:$0x4] =	stream.linear.gather @!p2 [hbm4b:s31+s19], $0xC80, $0x38;
	[tilespmem:$0x1F080] =	vst v63  }
0x6b: {  	s0 =	sadd.s32 @!p2 s6, s0;
	s31 =	sand.u32 $0xFF, s17;
	s17 =	sor.u32 @!p2 $0x2000, s18  }
0x6c: {  	[tilespmem:s17], [sflag:$0x5] =	stream.linear.gather @!p2 [hbm4b:s0+s19], $0xC80, $0x38;
	[tilespmem:$0x1F080] =	vst v63  }
0x6d: {  	p2 =	sne.s32 @!p1 s15, $0x16  }
0x6e: {  	p1 =	por p1, p2  }
.Ltmp5:
0x6f: {  	_ = 	snop;
	(pc) =	sbr.rel @!p1 .LBB2_7-.Ltmp5, $4  }
0x70: {  	s19 =	sadd.s32 $0x1, s31  }
0x71: {  	_ =	swait.ge [sflag:s19], $0x2800  }
0x72: {  	[sflag:s19] =	ssyncset.done $0x0  }
0x73: {  	[sflag:s19] =	ssyncadd.s32 $0xFFFFD800  }
0x74: {  	p1 =	sgt.u32 s28, $0x7A  }
.Ltmp6:
0x75: {  	_ = 	snop;
	(pc) =	sbr.rel @p1 .LBB2_13-.Ltmp6, $1  }
0x76: {  	_ =	sdelay $0x3  }
0x77: {  	p1 =	seq.s32 s28, $0x0  }
.Ltmp7:
0x78: {  	_ = 	snop;
	(pc) =	sbr.rel @!p1 .LBB2_8-.Ltmp7, $1  }
0x79: {  	_ =	sdelay $0x3  }
.Ltmp8:
0x7a: {  	(pc) =	sbr.rel .LBB2_12-.Ltmp8, $2  }
0x7b: {  	_ =	sdelay $0x2  }
0x7c: {  	s0 =	simm.s32 $0x2  }
.LBB2_14:
0x7d: {  	_ =	swait.ge [sflag:s23], $0x2800  }
0x7e: {  	[sflag:s23] =	ssyncset.done $0x0  }
0x7f: {  	[sflag:s23] =	ssyncadd.s32 $0xFFFFD800  }
0x80: {  	_ =	swait.ge [sflag:s24], $0x2800  }
0x81: {  	[sflag:s24] =	ssyncset.done $0x0  }
0x82: {  	[sflag:s24] =	ssyncadd.s32 $0xFFFFD800  }
0x83: {  	_ =	swait.ge [sflag:s25], $0x2800  }
.Ltmp9:
0x84: {  	[sflag:s25] =	ssyncset.done $0x0;
	(pc) =	sbr.rel @!p0 .LBB2_16-.Ltmp9, $4  }
0x85: {  	s0 =	sshll.u32 s4, $0x6;
	s19 =	sshrl.u32 s12, $0x3;
	[sflag:s25] =	ssyncadd.s32 $0xFFFFD800  }
0x86: {  	s29 =	sadd.s32 $0xFFFFFFFF, s9;
	s28 =	sor.u32 $0x1C09, s0;
	[bflag:$0x0] =	sbarrier.arrive $0xFFFF  }
0x87: {  	[hbm:s13], [sflag:s28] =	dma.local [spmem:s19], $0x500  }
0x88: {  	s30 =	sadd.s32 $0x5000, s13;
	s31 =	smov.u32 s12;
	_ =	swait.ge [sflag:s14], $0x500  }
.LBB2_15:
0x89: {  	[sflag:s14] =	ssyncset.done $0x0;
	s31 =	sadd.s32 $0x28000, s31;
	p0 =	sne.s32 s29, $0x1  }
.Ltmp10:
0x8a: {  	s0 =	sshrl.u32 s31, $0x3;
	[sflag:s14] =	ssyncadd.s32 $0xFFFFFB00;
	(pc) =	sbr.rel @p0 .LBB2_15-.Ltmp10, $3  }
0x8b: {  	[hbm:s30], [sflag:s28] =	dma.local [spmem:s0], $0x500  }
0x8c: {  	s29 =	sadd.s32 $0xFFFFFFFF, s29;
	_ =	sdelay $0x1  }
0x8d: {  	s30 =	sadd.s32 $0x5000, s30;
	_ =	swait.ge [sflag:s14], $0x500  }
.LBB2_16:
0x8e: {  	s26 =	sadd.s32 $0x1, s26  }
0x8f: {  	p0 =	sne.s32 s26, s11  }
.Ltmp11:
0x90: {  	_ = 	snop;
	(pc) =	sbr.rel @p0 .LBB2_1-.Ltmp11, $3  }
0x91: {  	_ =	sdelay $0x1  }
0x92: {  	[sflag:s14] =	ssyncset.done $0x0  }
0x93: {  	[sflag:s14] =	ssyncadd.s32 $0xFFFFFB00  }
0x94: {  	_ =	sfence.sel $0x180000  }
0x95: {  	[bflag:$0x0] =	sbarrier.arrive $0xFFFF  }
0x96: {  	_ =	strace $0x90000047  }
0x97: {  	[bflag:$0x2] =	sbarrier.arrive $0xFFFF  }
0x98: {  	p0 =	sne.s32 s4, $0x0;
	s0 =	rddreg [dreg:$0x4]  }
0x99: {  	s0 =	sadd.s32 @!p0 $0x100000, s0  }
0x9a: {  	[sflag:s0] =	ssyncadd.tile.s32 @!p0 $0x1;
	_ =	shalt  }
.Lfunc_end2:
_tile_overlayer_lowered:
.L_overlay_start_2:
0x9b: {  	(tag) =	ssettag $0x2  }
0x9c: {  	s0 =	rddreg [dreg:$0x0];
	s2 =	stileid.u32  }
0x9d: {  	s1 =	rddreg [dreg:$0x1];
	p0 =	sne.s32 s2, $0x0  }
0x9e: {  	s3 =	rddreg [dreg:$0x2];
	[bflag:$0x3] =	sbarrier.arrive $0xFFFF;
	s2 =	simm.s32 @!p0 $0x1C09  }
0x9f: {  	[timem:s3], [sflag:s2] =	dma.local @!p0 [hbm:s0], s1  }
0xa0: {  	s0 =	simm.s32 @!p0 $0x9  }
0xa1: {  	_ =	swait.ge @!p0 [sflag:s0], s1  }
0xa2: {  	s1 =	ssub.s32 @!p0 $0x0, s1;
	[sflag:s0] =	ssyncset.done @!p0 $0x0  }
0xa3: {  	[sflag:s0] =	ssyncadd.s32 @!p0 s1  }
0xa4: {  	[bflag:$0x3] =	sbarrier.arrive $0xFFFF  }
0xa5: {  	_ =	shalt  }

</sc_bundles>
